<compile_context>
chip_gen: v7x
topology: tpu7x:2x2x1
jax: 0.10.2.dev20260603
libtpu: 0.0.44.dev20260713+nightly
codegen_flags: <defaults>
</compile_context>

<pallas_src>
import functools

import jax
import jax.numpy as jnp
from jax import lax
from jax.experimental import pallas as pl
from jax.experimental.pallas import tpu as pltpu
from jax.experimental.pallas import tpu_sc as plsc

_G = 128
_NBUF = 8


@functools.lru_cache(maxsize=None)
def _make_gather(vocab_rows: int, d: int, n: int):
  info = plsc.get_sparse_core_info()
  nw = info.num_cores * info.num_subcores
  assert n % (nw * _G) == 0
  ngw = n // (nw * _G)
  nbuf = next(k for k in (_NBUF, 4, 2, 1) if ngw % k == 0)

  mesh = plsc.VectorSubcoreMesh(core_axis_name="c", subcore_axis_name="s")

  @functools.partial(
      pl.kernel,
      out_type=jax.ShapeDtypeStruct((n, d), jnp.float32),
      mesh=mesh,
      compiler_params=pltpu.CompilerParams(use_tc_tiling_on_sc=False),
      scratch_types=[
          pltpu.VMEM((ngw, _G), jnp.int32),
          pltpu.VMEM((nbuf, _G, d), jnp.float32),
          pltpu.SemaphoreType.DMA((nbuf,)),
          pltpu.SemaphoreType.DMA((nbuf,)),
      ],
  )
  def gather_kernel(table_hbm, idx_hbm, out_hbm, idx_v, rows_v, gsem, wsem):
    wid = lax.axis_index("s") * info.num_cores + lax.axis_index("c")
    rbase = wid * ngw
    obase = rbase * _G

    pltpu.sync_copy(idx_hbm.at[pl.ds(rbase, ngw)], idx_v)
    for b in range(nbuf - 1):
      pltpu.async_copy(table_hbm.at[idx_v.at[b]], rows_v.at[b], gsem.at[b])

    @pl.loop(0, ngw, step=nbuf)
    def _step(j):
      for b in range(nbuf):
        i = j + b
        nxt = i + nbuf - 1
        pslot = (b - 1) % nbuf

        @pl.when(nxt < ngw)
        def _():
          @pl.when(i >= 1)
          def _():
            pltpu.make_async_copy(
                rows_v.at[pslot],
                out_hbm.at[pl.ds(obase, _G)],
                wsem.at[pslot],
            ).wait()
          pltpu.async_copy(
              table_hbm.at[idx_v.at[nxt]], rows_v.at[pslot], gsem.at[pslot]
          )

        pltpu.make_async_copy(
            table_hbm.at[idx_v.at[i]], rows_v.at[b], gsem.at[b]
        ).wait()
        pltpu.async_copy(
            rows_v.at[b], out_hbm.at[pl.ds(obase + i * _G, _G)], wsem.at[b]
        )

    for b in range(nbuf):
      pltpu.make_async_copy(
          rows_v.at[b], out_hbm.at[pl.ds(obase, _G)], wsem.at[b]
      ).wait()

  return gather_kernel


def kernel(W_in, data):
  b, s = data.shape
  n = b * s
  idx = data.reshape(-1).astype(jnp.int32).reshape(n // _G, _G)
  out = _make_gather(W_in.shape[0], W_in.shape[1], n)(W_in, idx)
  return out.reshape(b, s, W_in.shape[1])

# --- scband reference (transcript-rebuilt; emitter-appended) ---
"""Pipeline reference for scband-word2-vec-25005299597386 (READ-ONLY COPY).

The authoritative reference and input builder live on the scoring server;
editing this copy changes nothing except your own understanding.
"""

import jax, jax.numpy as jnp
import numpy as np

VOCAB_SIZE = 1000000
EMBED_DIM = 64
PADDING_IDX = 0

def setup_inputs(seed: int = 0) -> dict:
    key = jax.random.key(seed)
    k1, k2 = jax.random.split(key)
    data = jax.random.randint(k1, (16384, 50), 0, VOCAB_SIZE, dtype=jnp.int64 if jax.config.jax_enable_x64 else jnp.int32)
    bound = 0.5 / EMBED_DIM
    W_in = jax.random.uniform(k2, (VOCAB_SIZE + 1, EMBED_DIM), dtype=jnp.float32, minval=-bound, maxval=bound)
    # padding_idx row is zeroed, matching nn.Embedding(padding_idx=0)
    W_in = W_in.at[PADDING_IDX].set(0.0)
    return {"W_in": W_in, "data": data}

def reference(W_in, data):
    # Word2Vec.forward with forward_in=True: ivectors embedding lookup
    return jnp.take(W_in, data, axis=0)

if __name__ == "__main__":
    import jax
    _d = setup_inputs()
    print(jax.jit(kernel)(*tuple(_d.values())))

</pallas_src>

<mosaic_0001>
#map = affine_map<(d0, d1) -> (0, 0)>
module attributes {stable_mosaic.version = 14 : i64} {
  func.func @gather_kernel(%arg0: i32, %arg1: i32, %arg2: memref<1000001x64xf32, #tpu.memory_space<hbm>>, %arg3: memref<6400x128xi32, #tpu.memory_space<hbm>>, %arg4: memref<819200x64xf32, #tpu.memory_space<hbm>>, %arg5: memref<200x128xi32, #tpu.memory_space<vmem>>, %arg6: memref<8x128x64xf32, #tpu.memory_space<vmem>>, %arg7: memref<8x!tpu.dma_semaphore, #tpu.memory_space<semaphore_mem>>, %arg8: memref<8x!tpu.dma_semaphore, #tpu.memory_space<semaphore_mem>>) attributes {dimension_semantics = [#tpu.dimension_semantics<core_parallel>, #tpu.dimension_semantics<subcore_parallel>], iteration_bounds = array<i64: 2, 16>, scalar_prefetch = 0 : i64, scratch_operands = 4 : i64, tpu.core_type = #tpu.core_type<sc_vector_subcore>, window_params = [{transform_indices = #map}, {transform_indices = #map}, {transform_indices = #map}]} {
    %mul3A = arith.constant 2 : i32
    %mul3A_0 = arith.muli %arg1, %mul3A : i32
    %add3A = arith.addi %mul3A_0, %arg0 : i32
    %mul3A_1 = arith.constant 200 : i32
    %mul3A_2 = arith.muli %add3A, %mul3A_1 : i32
    %mul3A_3 = arith.constant 128 : i32
    %mul3A_4 = arith.muli %mul3A_2, %mul3A_3 : i32
    "tpu.region"() ({
      %run_scoped3A = tpu.sem_alloc : memref<!tpu.dma_semaphore, #tpu.memory_space<semaphore_mem>>
      %dma_start3A_240 = arith.constant 0 : i32
      %dma_start3A_241 = tpu.memref_slice %arg3[%mul3A_2, %dma_start3A_240] : memref<6400x128xi32, #tpu.memory_space<hbm>> -> memref<200x128xi32, #tpu.memory_space<hbm>>
      %dma_start3A_242 = arith.constant 0 : i32
      %dma_start3A_243 = tpu.memref_slice %arg3[%mul3A_2, %dma_start3A_242] : memref<6400x128xi32, #tpu.memory_space<hbm>> -> memref<200x128xi32, #tpu.memory_space<hbm>>
      tpu.enqueue_dma source(%dma_start3A_243 : memref<200x128xi32, #tpu.memory_space<hbm>>) target(%arg5 : memref<200x128xi32, #tpu.memory_space<vmem>>) target_semaphore(%run_scoped3A : memref<!tpu.dma_semaphore, #tpu.memory_space<semaphore_mem>>)
      %dma_wait3A_244 = arith.constant 0 : i32
      %dma_wait3A_245 = tpu.memref_slice %arg3[%mul3A_2, %dma_wait3A_244] : memref<6400x128xi32, #tpu.memory_space<hbm>> -> memref<200x128xi32, #tpu.memory_space<hbm>>
      %dma_wait3A_246 = arith.constant 0 : i32
      %dma_wait3A_247 = tpu.memref_slice %arg3[%mul3A_2, %dma_wait3A_246] : memref<6400x128xi32, #tpu.memory_space<hbm>> -> memref<200x128xi32, #tpu.memory_space<hbm>>
      tpu.wait_dma2 semaphore(%run_scoped3A : memref<!tpu.dma_semaphore, #tpu.memory_space<semaphore_mem>>) src(%dma_wait3A_247 : memref<200x128xi32, #tpu.memory_space<hbm>>) dst(%arg5 : memref<200x128xi32, #tpu.memory_space<vmem>>)
      tpu.yield
    }) : () -> ()
    %dma_start3A = arith.constant 0 : i32
    %dma_start3A_5 = arith.constant 0 : i32
    %dma_start3A_6 = arith.constant 0 : i32
    %dma_start3A_7 = arith.constant 0 : i32
    %dma_start3A_8 = arith.constant 0 : i32
    %dma_start3A_9 = tpu.memref_slice %arg6[%dma_start3A_5, %dma_start3A_7, %dma_start3A_8] : memref<8x128x64xf32, #tpu.memory_space<vmem>> -> memref<1x128x64xf32, #tpu.memory_space<vmem>>
    %dma_start3A_10 = tpu.memref_squeeze %dma_start3A_9 : memref<1x128x64xf32, #tpu.memory_space<vmem>> -> memref<128x64xf32, #tpu.memory_space<vmem>>
    %dma_start3A_11 = arith.constant 0 : i32
    %dma_start3A_12 = tpu.memref_slice %arg5[%dma_start3A, %dma_start3A_11] : memref<200x128xi32, #tpu.memory_space<vmem>> -> memref<1x128xi32, #tpu.memory_space<vmem>>
    %dma_start3A_13 = tpu.memref_squeeze %dma_start3A_12 : memref<1x128xi32, #tpu.memory_space<vmem>> -> memref<128xi32, #tpu.memory_space<vmem>>
    %dma_start3A_14 = arith.constant 0 : i32
    %dma_start3A_15 = arith.constant 0 : i32
    %dma_start3A_16 = tpu.memref_slice %arg2[%dma_start3A_14, %dma_start3A_15] : memref<1000001x64xf32, #tpu.memory_space<hbm>> -> memref<1000001x64xf32, #tpu.memory_space<hbm>>
    %dma_start3A_17 = tpu.memref_slice %arg7[%dma_start3A_6] : memref<8x!tpu.dma_semaphore, #tpu.memory_space<semaphore_mem>> -> memref<1x!tpu.dma_semaphore, #tpu.memory_space<semaphore_mem>>
    %dma_start3A_18 = tpu.memref_squeeze %dma_start3A_17 : memref<1x!tpu.dma_semaphore, #tpu.memory_space<semaphore_mem>> -> memref<!tpu.dma_semaphore, #tpu.memory_space<semaphore_mem>>
    tpu.enqueue_indirect_dma source(%dma_start3A_16 : memref<1000001x64xf32, #tpu.memory_space<hbm>>) target(%dma_start3A_10 : memref<128x64xf32, #tpu.memory_space<vmem>>) offsets(%dma_start3A_13 : memref<128xi32, #tpu.memory_space<vmem>>) semaphore(%dma_start3A_18 : memref<!tpu.dma_semaphore, #tpu.memory_space<semaphore_mem>>)
    %dma_start3A_19 = arith.constant 1 : i32
    %dma_start3A_20 = arith.constant 1 : i32
    %dma_start3A_21 = arith.constant 1 : i32
    %dma_start3A_22 = arith.constant 0 : i32
    %dma_start3A_23 = arith.constant 0 : i32
    %dma_start3A_24 = tpu.memref_slice %arg6[%dma_start3A_20, %dma_start3A_22, %dma_start3A_23] : memref<8x128x64xf32, #tpu.memory_space<vmem>> -> memref<1x128x64xf32, #tpu.memory_space<vmem>>
    %dma_start3A_25 = tpu.memref_squeeze %dma_start3A_24 : memref<1x128x64xf32, #tpu.memory_space<vmem>> -> memref<128x64xf32, #tpu.memory_space<vmem>>
    %dma_start3A_26 = arith.constant 0 : i32
    %dma_start3A_27 = tpu.memref_slice %arg5[%dma_start3A_19, %dma_start3A_26] : memref<200x128xi32, #tpu.memory_space<vmem>> -> memref<1x128xi32, #tpu.memory_space<vmem>>
    %dma_start3A_28 = tpu.memref_squeeze %dma_start3A_27 : memref<1x128xi32, #tpu.memory_space<vmem>> -> memref<128xi32, #tpu.memory_space<vmem>>
    %dma_start3A_29 = arith.constant 0 : i32
    %dma_start3A_30 = arith.constant 0 : i32
    %dma_start3A_31 = tpu.memref_slice %arg2[%dma_start3A_29, %dma_start3A_30] : memref<1000001x64xf32, #tpu.memory_space<hbm>> -> memref<1000001x64xf32, #tpu.memory_space<hbm>>
    %dma_start3A_32 = tpu.memref_slice %arg7[%dma_start3A_21] : memref<8x!tpu.dma_semaphore, #tpu.memory_space<semaphore_mem>> -> memref<1x!tpu.dma_semaphore, #tpu.memory_space<semaphore_mem>>
    %dma_start3A_33 = tpu.memref_squeeze %dma_start3A_32 : memref<1x!tpu.dma_semaphore, #tpu.memory_space<semaphore_mem>> -> memref<!tpu.dma_semaphore, #tpu.memory_space<semaphore_mem>>
    tpu.enqueue_indirect_dma source(%dma_start3A_31 : memref<1000001x64xf32, #tpu.memory_space<hbm>>) target(%dma_start3A_25 : memref<128x64xf32, #tpu.memory_space<vmem>>) offsets(%dma_start3A_28 : memref<128xi32, #tpu.memory_space<vmem>>) semaphore(%dma_start3A_33 : memref<!tpu.dma_semaphore, #tpu.memory_space<semaphore_mem>>)
    %dma_start3A_34 = arith.constant 2 : i32
    %dma_start3A_35 = arith.constant 2 : i32
    %dma_start3A_36 = arith.constant 2 : i32
    %dma_start3A_37 = arith.constant 0 : i32
    %dma_start3A_38 = arith.constant 0 : i32
    %dma_start3A_39 = tpu.memref_slice %arg6[%dma_start3A_35, %dma_start3A_37, %dma_start3A_38] : memref<8x128x64xf32, #tpu.memory_space<vmem>> -> memref<1x128x64xf32, #tpu.memory_space<vmem>>
    %dma_start3A_40 = tpu.memref_squeeze %dma_start3A_39 : memref<1x128x64xf32, #tpu.memory_space<vmem>> -> memref<128x64xf32, #tpu.memory_space<vmem>>
    %dma_start3A_41 = arith.constant 0 : i32
    %dma_start3A_42 = tpu.memref_slice %arg5[%dma_start3A_34, %dma_start3A_41] : memref<200x128xi32, #tpu.memory_space<vmem>> -> memref<1x128xi32, #tpu.memory_space<vmem>>
    %dma_start3A_43 = tpu.memref_squeeze %dma_start3A_42 : memref<1x128xi32, #tpu.memory_space<vmem>> -> memref<128xi32, #tpu.memory_space<vmem>>
    %dma_start3A_44 = arith.constant 0 : i32
    %dma_start3A_45 = arith.constant 0 : i32
    %dma_start3A_46 = tpu.memref_slice %arg2[%dma_start3A_44, %dma_start3A_45] : memref<1000001x64xf32, #tpu.memory_space<hbm>> -> memref<1000001x64xf32, #tpu.memory_space<hbm>>
    %dma_start3A_47 = tpu.memref_slice %arg7[%dma_start3A_36] : memref<8x!tpu.dma_semaphore, #tpu.memory_space<semaphore_mem>> -> memref<1x!tpu.dma_semaphore, #tpu.memory_space<semaphore_mem>>
    %dma_start3A_48 = tpu.memref_squeeze %dma_start3A_47 : memref<1x!tpu.dma_semaphore, #tpu.memory_space<semaphore_mem>> -> memref<!tpu.dma_semaphore, #tpu.memory_space<semaphore_mem>>
    tpu.enqueue_indirect_dma source(%dma_start3A_46 : memref<1000001x64xf32, #tpu.memory_space<hbm>>) target(%dma_start3A_40 : memref<128x64xf32, #tpu.memory_space<vmem>>) offsets(%dma_start3A_43 : memref<128xi32, #tpu.memory_space<vmem>>) semaphore(%dma_start3A_48 : memref<!tpu.dma_semaphore, #tpu.memory_space<semaphore_mem>>)
    %dma_start3A_49 = arith.constant 3 : i32
    %dma_start3A_50 = arith.constant 3 : i32
    %dma_start3A_51 = arith.constant 3 : i32
    %dma_start3A_52 = arith.constant 0 : i32
    %dma_start3A_53 = arith.constant 0 : i32
    %dma_start3A_54 = tpu.memref_slice %arg6[%dma_start3A_50, %dma_start3A_52, %dma_start3A_53] : memref<8x128x64xf32, #tpu.memory_space<vmem>> -> memref<1x128x64xf32, #tpu.memory_space<vmem>>
    %dma_start3A_55 = tpu.memref_squeeze %dma_start3A_54 : memref<1x128x64xf32, #tpu.memory_space<vmem>> -> memref<128x64xf32, #tpu.memory_space<vmem>>
    %dma_start3A_56 = arith.constant 0 : i32
    %dma_start3A_57 = tpu.memref_slice %arg5[%dma_start3A_49, %dma_start3A_56] : memref<200x128xi32, #tpu.memory_space<vmem>> -> memref<1x128xi32, #tpu.memory_space<vmem>>
    %dma_start3A_58 = tpu.memref_squeeze %dma_start3A_57 : memref<1x128xi32, #tpu.memory_space<vmem>> -> memref<128xi32, #tpu.memory_space<vmem>>
    %dma_start3A_59 = arith.constant 0 : i32
    %dma_start3A_60 = arith.constant 0 : i32
    %dma_start3A_61 = tpu.memref_slice %arg2[%dma_start3A_59, %dma_start3A_60] : memref<1000001x64xf32, #tpu.memory_space<hbm>> -> memref<1000001x64xf32, #tpu.memory_space<hbm>>
    %dma_start3A_62 = tpu.memref_slice %arg7[%dma_start3A_51] : memref<8x!tpu.dma_semaphore, #tpu.memory_space<semaphore_mem>> -> memref<1x!tpu.dma_semaphore, #tpu.memory_space<semaphore_mem>>
    %dma_start3A_63 = tpu.memref_squeeze %dma_start3A_62 : memref<1x!tpu.dma_semaphore, #tpu.memory_space<semaphore_mem>> -> memref<!tpu.dma_semaphore, #tpu.memory_space<semaphore_mem>>
    tpu.enqueue_indirect_dma source(%dma_start3A_61 : memref<1000001x64xf32, #tpu.memory_space<hbm>>) target(%dma_start3A_55 : memref<128x64xf32, #tpu.memory_space<vmem>>) offsets(%dma_start3A_58 : memref<128xi32, #tpu.memory_space<vmem>>) semaphore(%dma_start3A_63 : memref<!tpu.dma_semaphore, #tpu.memory_space<semaphore_mem>>)
    %dma_start3A_64 = arith.constant 4 : i32
    %dma_start3A_65 = arith.constant 4 : i32
    %dma_start3A_66 = arith.constant 4 : i32
    %dma_start3A_67 = arith.constant 0 : i32
    %dma_start3A_68 = arith.constant 0 : i32
    %dma_start3A_69 = tpu.memref_slice %arg6[%dma_start3A_65, %dma_start3A_67, %dma_start3A_68] : memref<8x128x64xf32, #tpu.memory_space<vmem>> -> memref<1x128x64xf32, #tpu.memory_space<vmem>>
    %dma_start3A_70 = tpu.memref_squeeze %dma_start3A_69 : memref<1x128x64xf32, #tpu.memory_space<vmem>> -> memref<128x64xf32, #tpu.memory_space<vmem>>
    %dma_start3A_71 = arith.constant 0 : i32
    %dma_start3A_72 = tpu.memref_slice %arg5[%dma_start3A_64, %dma_start3A_71] : memref<200x128xi32, #tpu.memory_space<vmem>> -> memref<1x128xi32, #tpu.memory_space<vmem>>
    %dma_start3A_73 = tpu.memref_squeeze %dma_start3A_72 : memref<1x128xi32, #tpu.memory_space<vmem>> -> memref<128xi32, #tpu.memory_space<vmem>>
    %dma_start3A_74 = arith.constant 0 : i32
    %dma_start3A_75 = arith.constant 0 : i32
    %dma_start3A_76 = tpu.memref_slice %arg2[%dma_start3A_74, %dma_start3A_75] : memref<1000001x64xf32, #tpu.memory_space<hbm>> -> memref<1000001x64xf32, #tpu.memory_space<hbm>>
    %dma_start3A_77 = tpu.memref_slice %arg7[%dma_start3A_66] : memref<8x!tpu.dma_semaphore, #tpu.memory_space<semaphore_mem>> -> memref<1x!tpu.dma_semaphore, #tpu.memory_space<semaphore_mem>>
    %dma_start3A_78 = tpu.memref_squeeze %dma_start3A_77 : memref<1x!tpu.dma_semaphore, #tpu.memory_space<semaphore_mem>> -> memref<!tpu.dma_semaphore, #tpu.memory_space<semaphore_mem>>
    tpu.enqueue_indirect_dma source(%dma_start3A_76 : memref<1000001x64xf32, #tpu.memory_space<hbm>>) target(%dma_start3A_70 : memref<128x64xf32, #tpu.memory_space<vmem>>) offsets(%dma_start3A_73 : memref<128xi32, #tpu.memory_space<vmem>>) semaphore(%dma_start3A_78 : memref<!tpu.dma_semaphore, #tpu.memory_space<semaphore_mem>>)
    %dma_start3A_79 = arith.constant 5 : i32
    %dma_start3A_80 = arith.constant 5 : i32
    %dma_start3A_81 = arith.constant 5 : i32
    %dma_start3A_82 = arith.constant 0 : i32
    %dma_start3A_83 = arith.constant 0 : i32
    %dma_start3A_84 = tpu.memref_slice %arg6[%dma_start3A_80, %dma_start3A_82, %dma_start3A_83] : memref<8x128x64xf32, #tpu.memory_space<vmem>> -> memref<1x128x64xf32, #tpu.memory_space<vmem>>
    %dma_start3A_85 = tpu.memref_squeeze %dma_start3A_84 : memref<1x128x64xf32, #tpu.memory_space<vmem>> -> memref<128x64xf32, #tpu.memory_space<vmem>>
    %dma_start3A_86 = arith.constant 0 : i32
    %dma_start3A_87 = tpu.memref_slice %arg5[%dma_start3A_79, %dma_start3A_86] : memref<200x128xi32, #tpu.memory_space<vmem>> -> memref<1x128xi32, #tpu.memory_space<vmem>>
    %dma_start3A_88 = tpu.memref_squeeze %dma_start3A_87 : memref<1x128xi32, #tpu.memory_space<vmem>> -> memref<128xi32, #tpu.memory_space<vmem>>
    %dma_start3A_89 = arith.constant 0 : i32
    %dma_start3A_90 = arith.constant 0 : i32
    %dma_start3A_91 = tpu.memref_slice %arg2[%dma_start3A_89, %dma_start3A_90] : memref<1000001x64xf32, #tpu.memory_space<hbm>> -> memref<1000001x64xf32, #tpu.memory_space<hbm>>
    %dma_start3A_92 = tpu.memref_slice %arg7[%dma_start3A_81] : memref<8x!tpu.dma_semaphore, #tpu.memory_space<semaphore_mem>> -> memref<1x!tpu.dma_semaphore, #tpu.memory_space<semaphore_mem>>
    %dma_start3A_93 = tpu.memref_squeeze %dma_start3A_92 : memref<1x!tpu.dma_semaphore, #tpu.memory_space<semaphore_mem>> -> memref<!tpu.dma_semaphore, #tpu.memory_space<semaphore_mem>>
    tpu.enqueue_indirect_dma source(%dma_start3A_91 : memref<1000001x64xf32, #tpu.memory_space<hbm>>) target(%dma_start3A_85 : memref<128x64xf32, #tpu.memory_space<vmem>>) offsets(%dma_start3A_88 : memref<128xi32, #tpu.memory_space<vmem>>) semaphore(%dma_start3A_93 : memref<!tpu.dma_semaphore, #tpu.memory_space<semaphore_mem>>)
    %dma_start3A_94 = arith.constant 6 : i32
    %dma_start3A_95 = arith.constant 6 : i32
    %dma_start3A_96 = arith.constant 6 : i32
    %dma_start3A_97 = arith.constant 0 : i32
    %dma_start3A_98 = arith.constant 0 : i32
    %dma_start3A_99 = tpu.memref_slice %arg6[%dma_start3A_95, %dma_start3A_97, %dma_start3A_98] : memref<8x128x64xf32, #tpu.memory_space<vmem>> -> memref<1x128x64xf32, #tpu.memory_space<vmem>>
    %dma_start3A_100 = tpu.memref_squeeze %dma_start3A_99 : memref<1x128x64xf32, #tpu.memory_space<vmem>> -> memref<128x64xf32, #tpu.memory_space<vmem>>
    %dma_start3A_101 = arith.constant 0 : i32
    %dma_start3A_102 = tpu.memref_slice %arg5[%dma_start3A_94, %dma_start3A_101] : memref<200x128xi32, #tpu.memory_space<vmem>> -> memref<1x128xi32, #tpu.memory_space<vmem>>
    %dma_start3A_103 = tpu.memref_squeeze %dma_start3A_102 : memref<1x128xi32, #tpu.memory_space<vmem>> -> memref<128xi32, #tpu.memory_space<vmem>>
    %dma_start3A_104 = arith.constant 0 : i32
    %dma_start3A_105 = arith.constant 0 : i32
    %dma_start3A_106 = tpu.memref_slice %arg2[%dma_start3A_104, %dma_start3A_105] : memref<1000001x64xf32, #tpu.memory_space<hbm>> -> memref<1000001x64xf32, #tpu.memory_space<hbm>>
    %dma_start3A_107 = tpu.memref_slice %arg7[%dma_start3A_96] : memref<8x!tpu.dma_semaphore, #tpu.memory_space<semaphore_mem>> -> memref<1x!tpu.dma_semaphore, #tpu.memory_space<semaphore_mem>>
    %dma_start3A_108 = tpu.memref_squeeze %dma_start3A_107 : memref<1x!tpu.dma_semaphore, #tpu.memory_space<semaphore_mem>> -> memref<!tpu.dma_semaphore, #tpu.memory_space<semaphore_mem>>
    tpu.enqueue_indirect_dma source(%dma_start3A_106 : memref<1000001x64xf32, #tpu.memory_space<hbm>>) target(%dma_start3A_100 : memref<128x64xf32, #tpu.memory_space<vmem>>) offsets(%dma_start3A_103 : memref<128xi32, #tpu.memory_space<vmem>>) semaphore(%dma_start3A_108 : memref<!tpu.dma_semaphore, #tpu.memory_space<semaphore_mem>>)
    %scan3A = arith.constant 0 : i32
    %scan3A_109 = arith.constant 25 : i32
    %scan3A_110 = arith.addi %scan3A, %scan3A_109 : i32
    %scan3A_111 = arith.constant 1 : i32
    scf.for %scan3A_240 = %scan3A to %scan3A_110 step %scan3A_111  : i32 {
      %mul3A_241 = arith.constant 8 : i32
      %mul3A_242 = arith.muli %scan3A_240, %mul3A_241 : i32
      %add3A_243 = arith.constant 0 : i32
      %add3A_244 = arith.addi %add3A_243, %mul3A_242 : i32
      %add3A_245 = arith.constant 0 : i32
      %add3A_246 = arith.addi %add3A_244, %add3A_245 : i32
      %add3A_247 = arith.constant 8 : i32
      %add3A_248 = arith.addi %add3A_246, %add3A_247 : i32
      %sub3A = arith.constant 1 : i32
      %sub3A_249 = arith.subi %add3A_248, %sub3A : i32
      %lt3A = arith.constant 200 : i32
      %lt3A_250 = arith.cmpi slt, %sub3A_249, %lt3A : i32
      %convert_element_type3A = arith.extui %lt3A_250 : i1 to i32
      %cond3A = arith.constant 0 : i32
      %cond3A_251 = arith.cmpi ne, %convert_element_type3A, %cond3A : i32
      scf.if %cond3A_251 {
        %ge3A = arith.constant 1 : i32
        %ge3A_593 = arith.cmpi sge, %add3A_246, %ge3A : i32
        %convert_element_type3A_594 = arith.extui %ge3A_593 : i1 to i32
        %cond3A_595 = arith.constant 0 : i32
        %cond3A_596 = arith.cmpi ne, %convert_element_type3A_594, %cond3A_595 : i32
        scf.if %cond3A_596 {
          %dma_wait3A_611 = arith.constant 7 : i32
          %dma_wait3A_612 = arith.constant 7 : i32
          %dma_wait3A_613 = arith.constant 0 : i32
          %dma_wait3A_614 = arith.constant 0 : i32
          %dma_wait3A_615 = tpu.memref_slice %arg6[%dma_wait3A_611, %dma_wait3A_613, %dma_wait3A_614] : memref<8x128x64xf32, #tpu.memory_space<vmem>> -> memref<1x128x64xf32, #tpu.memory_space<vmem>>
          %dma_wait3A_616 = tpu.memref_squeeze %dma_wait3A_615 : memref<1x128x64xf32, #tpu.memory_space<vmem>> -> memref<128x64xf32, #tpu.memory_space<vmem>>
          %dma_wait3A_617 = arith.constant 0 : i32
          %dma_wait3A_618 = tpu.memref_slice %arg4[%mul3A_4, %dma_wait3A_617] : memref<819200x64xf32, #tpu.memory_space<hbm>> -> memref<128x64xf32, #tpu.memory_space<hbm>>
          %dma_wait3A_619 = tpu.memref_slice %arg8[%dma_wait3A_612] : memref<8x!tpu.dma_semaphore, #tpu.memory_space<semaphore_mem>> -> memref<1x!tpu.dma_semaphore, #tpu.memory_space<semaphore_mem>>
          %dma_wait3A_620 = tpu.memref_squeeze %dma_wait3A_619 : memref<1x!tpu.dma_semaphore, #tpu.memory_space<semaphore_mem>> -> memref<!tpu.dma_semaphore, #tpu.memory_space<semaphore_mem>>
          %dma_wait3A_621 = arith.constant 0 : i32
          %dma_wait3A_622 = tpu.memref_slice %arg4[%mul3A_4, %dma_wait3A_621] : memref<819200x64xf32, #tpu.memory_space<hbm>> -> memref<128x64xf32, #tpu.memory_space<hbm>>
          %dma_wait3A_623 = arith.constant 0 : i32
          %dma_wait3A_624 = arith.constant 0 : i32
          %dma_wait3A_625 = tpu.memref_slice %arg6[%dma_wait3A_611, %dma_wait3A_623, %dma_wait3A_624] : memref<8x128x64xf32, #tpu.memory_space<vmem>> -> memref<1x128x64xf32, #tpu.memory_space<vmem>>
          %dma_wait3A_626 = tpu.memref_squeeze %dma_wait3A_625 : memref<1x128x64xf32, #tpu.memory_space<vmem>> -> memref<128x64xf32, #tpu.memory_space<vmem>>
          tpu.wait_dma2 semaphore(%dma_wait3A_620 : memref<!tpu.dma_semaphore, #tpu.memory_space<semaphore_mem>>) src(%dma_wait3A_626 : memref<128x64xf32, #tpu.memory_space<vmem>>) dst(%dma_wait3A_622 : memref<128x64xf32, #tpu.memory_space<hbm>>)
        } else {
        }
        %dma_start3A_597 = arith.constant 7 : i32
        %dma_start3A_598 = arith.constant 7 : i32
        %dma_start3A_599 = arith.constant 0 : i32
        %dma_start3A_600 = arith.constant 0 : i32
        %dma_start3A_601 = tpu.memref_slice %arg6[%dma_start3A_597, %dma_start3A_599, %dma_start3A_600] : memref<8x128x64xf32, #tpu.memory_space<vmem>> -> memref<1x128x64xf32, #tpu.memory_space<vmem>>
        %dma_start3A_602 = tpu.memref_squeeze %dma_start3A_601 : memref<1x128x64xf32, #tpu.memory_space<vmem>> -> memref<128x64xf32, #tpu.memory_space<vmem>>
        %dma_start3A_603 = arith.constant 0 : i32
        %dma_start3A_604 = tpu.memref_slice %arg5[%sub3A_249, %dma_start3A_603] : memref<200x128xi32, #tpu.memory_space<vmem>> -> memref<1x128xi32, #tpu.memory_space<vmem>>
        %dma_start3A_605 = tpu.memref_squeeze %dma_start3A_604 : memref<1x128xi32, #tpu.memory_space<vmem>> -> memref<128xi32, #tpu.memory_space<vmem>>
        %dma_start3A_606 = arith.constant 0 : i32
        %dma_start3A_607 = arith.constant 0 : i32
        %dma_start3A_608 = tpu.memref_slice %arg2[%dma_start3A_606, %dma_start3A_607] : memref<1000001x64xf32, #tpu.memory_space<hbm>> -> memref<1000001x64xf32, #tpu.memory_space<hbm>>
        %dma_start3A_609 = tpu.memref_slice %arg7[%dma_start3A_598] : memref<8x!tpu.dma_semaphore, #tpu.memory_space<semaphore_mem>> -> memref<1x!tpu.dma_semaphore, #tpu.memory_space<semaphore_mem>>
        %dma_start3A_610 = tpu.memref_squeeze %dma_start3A_609 : memref<1x!tpu.dma_semaphore, #tpu.memory_space<semaphore_mem>> -> memref<!tpu.dma_semaphore, #tpu.memory_space<semaphore_mem>>
        tpu.enqueue_indirect_dma source(%dma_start3A_608 : memref<1000001x64xf32, #tpu.memory_space<hbm>>) target(%dma_start3A_602 : memref<128x64xf32, #tpu.memory_space<vmem>>) offsets(%dma_start3A_605 : memref<128xi32, #tpu.memory_space<vmem>>) semaphore(%dma_start3A_610 : memref<!tpu.dma_semaphore, #tpu.memory_space<semaphore_mem>>)
      } else {
      }
      %dma_wait3A_252 = arith.constant 0 : i32
      %dma_wait3A_253 = arith.constant 0 : i32
      %dma_wait3A_254 = arith.constant 0 : i32
      %dma_wait3A_255 = arith.constant 0 : i32
      %dma_wait3A_256 = tpu.memref_slice %arg6[%dma_wait3A_252, %dma_wait3A_254, %dma_wait3A_255] : memref<8x128x64xf32, #tpu.memory_space<vmem>> -> memref<1x128x64xf32, #tpu.memory_space<vmem>>
      %dma_wait3A_257 = tpu.memref_squeeze %dma_wait3A_256 : memref<1x128x64xf32, #tpu.memory_space<vmem>> -> memref<128x64xf32, #tpu.memory_space<vmem>>
      %dma_wait3A_258 = arith.constant 0 : i32
      %dma_wait3A_259 = tpu.memref_slice %arg5[%add3A_246, %dma_wait3A_258] : memref<200x128xi32, #tpu.memory_space<vmem>> -> memref<1x128xi32, #tpu.memory_space<vmem>>
      %dma_wait3A_260 = tpu.memref_squeeze %dma_wait3A_259 : memref<1x128xi32, #tpu.memory_space<vmem>> -> memref<128xi32, #tpu.memory_space<vmem>>
      %dma_wait3A_261 = arith.constant 0 : i32
      %dma_wait3A_262 = arith.constant 0 : i32
      %dma_wait3A_263 = tpu.memref_slice %arg2[%dma_wait3A_261, %dma_wait3A_262] : memref<1000001x64xf32, #tpu.memory_space<hbm>> -> memref<1000001x64xf32, #tpu.memory_space<hbm>>
      %dma_wait3A_264 = tpu.memref_slice %arg7[%dma_wait3A_253] : memref<8x!tpu.dma_semaphore, #tpu.memory_space<semaphore_mem>> -> memref<1x!tpu.dma_semaphore, #tpu.memory_space<semaphore_mem>>
      %dma_wait3A_265 = tpu.memref_squeeze %dma_wait3A_264 : memref<1x!tpu.dma_semaphore, #tpu.memory_space<semaphore_mem>> -> memref<!tpu.dma_semaphore, #tpu.memory_space<semaphore_mem>>
      tpu.wait_indirect_dma semaphore(%dma_wait3A_265 : memref<!tpu.dma_semaphore, #tpu.memory_space<semaphore_mem>>) src(%dma_wait3A_263 : memref<1000001x64xf32, #tpu.memory_space<hbm>>) dst(%dma_wait3A_257 : memref<128x64xf32, #tpu.memory_space<vmem>>)
      %mul3A_266 = arith.constant 128 : i32
      %mul3A_267 = arith.muli %add3A_246, %mul3A_266 : i32
      %add3A_268 = arith.addi %mul3A_4, %mul3A_267 : i32
      %dma_start3A_269 = arith.constant 0 : i32
      %dma_start3A_270 = arith.constant 0 : i32
      %dma_start3A_271 = arith.constant 0 : i32
      %dma_start3A_272 = arith.constant 0 : i32
      %dma_start3A_273 = tpu.memref_slice %arg6[%dma_start3A_269, %dma_start3A_271, %dma_start3A_272] : memref<8x128x64xf32, #tpu.memory_space<vmem>> -> memref<1x128x64xf32, #tpu.memory_space<vmem>>
      %dma_start3A_274 = tpu.memref_squeeze %dma_start3A_273 : memref<1x128x64xf32, #tpu.memory_space<vmem>> -> memref<128x64xf32, #tpu.memory_space<vmem>>
      %dma_start3A_275 = arith.constant 0 : i32
      %dma_start3A_276 = tpu.memref_slice %arg4[%add3A_268, %dma_start3A_275] : memref<819200x64xf32, #tpu.memory_space<hbm>> -> memref<128x64xf32, #tpu.memory_space<hbm>>
      %dma_start3A_277 = tpu.memref_slice %arg8[%dma_start3A_270] : memref<8x!tpu.dma_semaphore, #tpu.memory_space<semaphore_mem>> -> memref<1x!tpu.dma_semaphore, #tpu.memory_space<semaphore_mem>>
      %dma_start3A_278 = tpu.memref_squeeze %dma_start3A_277 : memref<1x!tpu.dma_semaphore, #tpu.memory_space<semaphore_mem>> -> memref<!tpu.dma_semaphore, #tpu.memory_space<semaphore_mem>>
      %dma_start3A_279 = arith.constant 0 : i32
      %dma_start3A_280 = tpu.memref_slice %arg4[%add3A_268, %dma_start3A_279] : memref<819200x64xf32, #tpu.memory_space<hbm>> -> memref<128x64xf32, #tpu.memory_space<hbm>>
      %dma_start3A_281 = arith.constant 0 : i32
      %dma_start3A_282 = arith.constant 0 : i32
      %dma_start3A_283 = tpu.memref_slice %arg6[%dma_start3A_269, %dma_start3A_281, %dma_start3A_282] : memref<8x128x64xf32, #tpu.memory_space<vmem>> -> memref<1x128x64xf32, #tpu.memory_space<vmem>>
      %dma_start3A_284 = tpu.memref_squeeze %dma_start3A_283 : memref<1x128x64xf32, #tpu.memory_space<vmem>> -> memref<128x64xf32, #tpu.memory_space<vmem>>
      tpu.enqueue_dma source(%dma_start3A_284 : memref<128x64xf32, #tpu.memory_space<vmem>>) target(%dma_start3A_280 : memref<128x64xf32, #tpu.memory_space<hbm>>) target_semaphore(%dma_start3A_278 : memref<!tpu.dma_semaphore, #tpu.memory_space<semaphore_mem>>)
      %add3A_285 = arith.constant 1 : i32
      %add3A_286 = arith.addi %add3A_244, %add3A_285 : i32
      %add3A_287 = arith.constant 8 : i32
      %add3A_288 = arith.addi %add3A_286, %add3A_287 : i32
      %sub3A_289 = arith.constant 1 : i32
      %sub3A_290 = arith.subi %add3A_288, %sub3A_289 : i32
      %lt3A_291 = arith.constant 200 : i32
      %lt3A_292 = arith.cmpi slt, %sub3A_290, %lt3A_291 : i32
      %convert_element_type3A_293 = arith.extui %lt3A_292 : i1 to i32
      %cond3A_294 = arith.constant 0 : i32
      %cond3A_295 = arith.cmpi ne, %convert_element_type3A_293, %cond3A_294 : i32
      scf.if %cond3A_295 {
        %ge3A = arith.constant 1 : i32
        %ge3A_593 = arith.cmpi sge, %add3A_286, %ge3A : i32
        %convert_element_type3A_594 = arith.extui %ge3A_593 : i1 to i32
        %cond3A_595 = arith.constant 0 : i32
        %cond3A_596 = arith.cmpi ne, %convert_element_type3A_594, %cond3A_595 : i32
        scf.if %cond3A_596 {
          %dma_wait3A_611 = arith.constant 0 : i32
          %dma_wait3A_612 = arith.constant 0 : i32
          %dma_wait3A_613 = arith.constant 0 : i32
          %dma_wait3A_614 = arith.constant 0 : i32
          %dma_wait3A_615 = tpu.memref_slice %arg6[%dma_wait3A_611, %dma_wait3A_613, %dma_wait3A_614] : memref<8x128x64xf32, #tpu.memory_space<vmem>> -> memref<1x128x64xf32, #tpu.memory_space<vmem>>
          %dma_wait3A_616 = tpu.memref_squeeze %dma_wait3A_615 : memref<1x128x64xf32, #tpu.memory_space<vmem>> -> memref<128x64xf32, #tpu.memory_space<vmem>>
          %dma_wait3A_617 = arith.constant 0 : i32
          %dma_wait3A_618 = tpu.memref_slice %arg4[%mul3A_4, %dma_wait3A_617] : memref<819200x64xf32, #tpu.memory_space<hbm>> -> memref<128x64xf32, #tpu.memory_space<hbm>>
          %dma_wait3A_619 = tpu.memref_slice %arg8[%dma_wait3A_612] : memref<8x!tpu.dma_semaphore, #tpu.memory_space<semaphore_mem>> -> memref<1x!tpu.dma_semaphore, #tpu.memory_space<semaphore_mem>>
          %dma_wait3A_620 = tpu.memref_squeeze %dma_wait3A_619 : memref<1x!tpu.dma_semaphore, #tpu.memory_space<semaphore_mem>> -> memref<!tpu.dma_semaphore, #tpu.memory_space<semaphore_mem>>
          %dma_wait3A_621 = arith.constant 0 : i32
          %dma_wait3A_622 = tpu.memref_slice %arg4[%mul3A_4, %dma_wait3A_621] : memref<819200x64xf32, #tpu.memory_space<hbm>> -> memref<128x64xf32, #tpu.memory_space<hbm>>
          %dma_wait3A_623 = arith.constant 0 : i32
          %dma_wait3A_624 = arith.constant 0 : i32
          %dma_wait3A_625 = tpu.memref_slice %arg6[%dma_wait3A_611, %dma_wait3A_623, %dma_wait3A_624] : memref<8x128x64xf32, #tpu.memory_space<vmem>> -> memref<1x128x64xf32, #tpu.memory_space<vmem>>
          %dma_wait3A_626 = tpu.memref_squeeze %dma_wait3A_625 : memref<1x128x64xf32, #tpu.memory_space<vmem>> -> memref<128x64xf32, #tpu.memory_space<vmem>>
          tpu.wait_dma2 semaphore(%dma_wait3A_620 : memref<!tpu.dma_semaphore, #tpu.memory_space<semaphore_mem>>) src(%dma_wait3A_626 : memref<128x64xf32, #tpu.memory_space<vmem>>) dst(%dma_wait3A_622 : memref<128x64xf32, #tpu.memory_space<hbm>>)
        } else {
        }
        %dma_start3A_597 = arith.constant 0 : i32
        %dma_start3A_598 = arith.constant 0 : i32
        %dma_start3A_599 = arith.constant 0 : i32
        %dma_start3A_600 = arith.constant 0 : i32
        %dma_start3A_601 = tpu.memref_slice %arg6[%dma_start3A_597, %dma_start3A_599, %dma_start3A_600] : memref<8x128x64xf32, #tpu.memory_space<vmem>> -> memref<1x128x64xf32, #tpu.memory_space<vmem>>
        %dma_start3A_602 = tpu.memref_squeeze %dma_start3A_601 : memref<1x128x64xf32, #tpu.memory_space<vmem>> -> memref<128x64xf32, #tpu.memory_space<vmem>>
        %dma_start3A_603 = arith.constant 0 : i32
        %dma_start3A_604 = tpu.memref_slice %arg5[%sub3A_290, %dma_start3A_603] : memref<200x128xi32, #tpu.memory_space<vmem>> -> memref<1x128xi32, #tpu.memory_space<vmem>>
        %dma_start3A_605 = tpu.memref_squeeze %dma_start3A_604 : memref<1x128xi32, #tpu.memory_space<vmem>> -> memref<128xi32, #tpu.memory_space<vmem>>
        %dma_start3A_606 = arith.constant 0 : i32
        %dma_start3A_607 = arith.constant 0 : i32
        %dma_start3A_608 = tpu.memref_slice %arg2[%dma_start3A_606, %dma_start3A_607] : memref<1000001x64xf32, #tpu.memory_space<hbm>> -> memref<1000001x64xf32, #tpu.memory_space<hbm>>
        %dma_start3A_609 = tpu.memref_slice %arg7[%dma_start3A_598] : memref<8x!tpu.dma_semaphore, #tpu.memory_space<semaphore_mem>> -> memref<1x!tpu.dma_semaphore, #tpu.memory_space<semaphore_mem>>
        %dma_start3A_610 = tpu.memref_squeeze %dma_start3A_609 : memref<1x!tpu.dma_semaphore, #tpu.memory_space<semaphore_mem>> -> memref<!tpu.dma_semaphore, #tpu.memory_space<semaphore_mem>>
        tpu.enqueue_indirect_dma source(%dma_start3A_608 : memref<1000001x64xf32, #tpu.memory_space<hbm>>) target(%dma_start3A_602 : memref<128x64xf32, #tpu.memory_space<vmem>>) offsets(%dma_start3A_605 : memref<128xi32, #tpu.memory_space<vmem>>) semaphore(%dma_start3A_610 : memref<!tpu.dma_semaphore, #tpu.memory_space<semaphore_mem>>)
      } else {
      }
      %dma_wait3A_296 = arith.constant 1 : i32
      %dma_wait3A_297 = arith.constant 1 : i32
      %dma_wait3A_298 = arith.constant 0 : i32
      %dma_wait3A_299 = arith.constant 0 : i32
      %dma_wait3A_300 = tpu.memref_slice %arg6[%dma_wait3A_296, %dma_wait3A_298, %dma_wait3A_299] : memref<8x128x64xf32, #tpu.memory_space<vmem>> -> memref<1x128x64xf32, #tpu.memory_space<vmem>>
      %dma_wait3A_301 = tpu.memref_squeeze %dma_wait3A_300 : memref<1x128x64xf32, #tpu.memory_space<vmem>> -> memref<128x64xf32, #tpu.memory_space<vmem>>
      %dma_wait3A_302 = arith.constant 0 : i32
      %dma_wait3A_303 = tpu.memref_slice %arg5[%add3A_286, %dma_wait3A_302] : memref<200x128xi32, #tpu.memory_space<vmem>> -> memref<1x128xi32, #tpu.memory_space<vmem>>
      %dma_wait3A_304 = tpu.memref_squeeze %dma_wait3A_303 : memref<1x128xi32, #tpu.memory_space<vmem>> -> memref<128xi32, #tpu.memory_space<vmem>>
      %dma_wait3A_305 = arith.constant 0 : i32
      %dma_wait3A_306 = arith.constant 0 : i32
      %dma_wait3A_307 = tpu.memref_slice %arg2[%dma_wait3A_305, %dma_wait3A_306] : memref<1000001x64xf32, #tpu.memory_space<hbm>> -> memref<1000001x64xf32, #tpu.memory_space<hbm>>
      %dma_wait3A_308 = tpu.memref_slice %arg7[%dma_wait3A_297] : memref<8x!tpu.dma_semaphore, #tpu.memory_space<semaphore_mem>> -> memref<1x!tpu.dma_semaphore, #tpu.memory_space<semaphore_mem>>
      %dma_wait3A_309 = tpu.memref_squeeze %dma_wait3A_308 : memref<1x!tpu.dma_semaphore, #tpu.memory_space<semaphore_mem>> -> memref<!tpu.dma_semaphore, #tpu.memory_space<semaphore_mem>>
      tpu.wait_indirect_dma semaphore(%dma_wait3A_309 : memref<!tpu.dma_semaphore, #tpu.memory_space<semaphore_mem>>) src(%dma_wait3A_307 : memref<1000001x64xf32, #tpu.memory_space<hbm>>) dst(%dma_wait3A_301 : memref<128x64xf32, #tpu.memory_space<vmem>>)
      %mul3A_310 = arith.constant 128 : i32
      %mul3A_311 = arith.muli %add3A_286, %mul3A_310 : i32
      %add3A_312 = arith.addi %mul3A_4, %mul3A_311 : i32
      %dma_start3A_313 = arith.constant 1 : i32
      %dma_start3A_314 = arith.constant 1 : i32
      %dma_start3A_315 = arith.constant 0 : i32
      %dma_start3A_316 = arith.constant 0 : i32
      %dma_start3A_317 = tpu.memref_slice %arg6[%dma_start3A_313, %dma_start3A_315, %dma_start3A_316] : memref<8x128x64xf32, #tpu.memory_space<vmem>> -> memref<1x128x64xf32, #tpu.memory_space<vmem>>
      %dma_start3A_318 = tpu.memref_squeeze %dma_start3A_317 : memref<1x128x64xf32, #tpu.memory_space<vmem>> -> memref<128x64xf32, #tpu.memory_space<vmem>>
      %dma_start3A_319 = arith.constant 0 : i32
      %dma_start3A_320 = tpu.memref_slice %arg4[%add3A_312, %dma_start3A_319] : memref<819200x64xf32, #tpu.memory_space<hbm>> -> memref<128x64xf32, #tpu.memory_space<hbm>>
      %dma_start3A_321 = tpu.memref_slice %arg8[%dma_start3A_314] : memref<8x!tpu.dma_semaphore, #tpu.memory_space<semaphore_mem>> -> memref<1x!tpu.dma_semaphore, #tpu.memory_space<semaphore_mem>>
      %dma_start3A_322 = tpu.memref_squeeze %dma_start3A_321 : memref<1x!tpu.dma_semaphore, #tpu.memory_space<semaphore_mem>> -> memref<!tpu.dma_semaphore, #tpu.memory_space<semaphore_mem>>
      %dma_start3A_323 = arith.constant 0 : i32
      %dma_start3A_324 = tpu.memref_slice %arg4[%add3A_312, %dma_start3A_323] : memref<819200x64xf32, #tpu.memory_space<hbm>> -> memref<128x64xf32, #tpu.memory_space<hbm>>
      %dma_start3A_325 = arith.constant 0 : i32
      %dma_start3A_326 = arith.constant 0 : i32
      %dma_start3A_327 = tpu.memref_slice %arg6[%dma_start3A_313, %dma_start3A_325, %dma_start3A_326] : memref<8x128x64xf32, #tpu.memory_space<vmem>> -> memref<1x128x64xf32, #tpu.memory_space<vmem>>
      %dma_start3A_328 = tpu.memref_squeeze %dma_start3A_327 : memref<1x128x64xf32, #tpu.memory_space<vmem>> -> memref<128x64xf32, #tpu.memory_space<vmem>>
      tpu.enqueue_dma source(%dma_start3A_328 : memref<128x64xf32, #tpu.memory_space<vmem>>) target(%dma_start3A_324 : memref<128x64xf32, #tpu.memory_space<hbm>>) target_semaphore(%dma_start3A_322 : memref<!tpu.dma_semaphore, #tpu.memory_space<semaphore_mem>>)
      %add3A_329 = arith.constant 2 : i32
      %add3A_330 = arith.addi %add3A_244, %add3A_329 : i32
      %add3A_331 = arith.constant 8 : i32
      %add3A_332 = arith.addi %add3A_330, %add3A_331 : i32
      %sub3A_333 = arith.constant 1 : i32
      %sub3A_334 = arith.subi %add3A_332, %sub3A_333 : i32
      %lt3A_335 = arith.constant 200 : i32
      %lt3A_336 = arith.cmpi slt, %sub3A_334, %lt3A_335 : i32
      %convert_element_type3A_337 = arith.extui %lt3A_336 : i1 to i32
      %cond3A_338 = arith.constant 0 : i32
      %cond3A_339 = arith.cmpi ne, %convert_element_type3A_337, %cond3A_338 : i32
      scf.if %cond3A_339 {
        %ge3A = arith.constant 1 : i32
        %ge3A_593 = arith.cmpi sge, %add3A_330, %ge3A : i32
        %convert_element_type3A_594 = arith.extui %ge3A_593 : i1 to i32
        %cond3A_595 = arith.constant 0 : i32
        %cond3A_596 = arith.cmpi ne, %convert_element_type3A_594, %cond3A_595 : i32
        scf.if %cond3A_596 {
          %dma_wait3A_611 = arith.constant 1 : i32
          %dma_wait3A_612 = arith.constant 1 : i32
          %dma_wait3A_613 = arith.constant 0 : i32
          %dma_wait3A_614 = arith.constant 0 : i32
          %dma_wait3A_615 = tpu.memref_slice %arg6[%dma_wait3A_611, %dma_wait3A_613, %dma_wait3A_614] : memref<8x128x64xf32, #tpu.memory_space<vmem>> -> memref<1x128x64xf32, #tpu.memory_space<vmem>>
          %dma_wait3A_616 = tpu.memref_squeeze %dma_wait3A_615 : memref<1x128x64xf32, #tpu.memory_space<vmem>> -> memref<128x64xf32, #tpu.memory_space<vmem>>
          %dma_wait3A_617 = arith.constant 0 : i32
          %dma_wait3A_618 = tpu.memref_slice %arg4[%mul3A_4, %dma_wait3A_617] : memref<819200x64xf32, #tpu.memory_space<hbm>> -> memref<128x64xf32, #tpu.memory_space<hbm>>
          %dma_wait3A_619 = tpu.memref_slice %arg8[%dma_wait3A_612] : memref<8x!tpu.dma_semaphore, #tpu.memory_space<semaphore_mem>> -> memref<1x!tpu.dma_semaphore, #tpu.memory_space<semaphore_mem>>
          %dma_wait3A_620 = tpu.memref_squeeze %dma_wait3A_619 : memref<1x!tpu.dma_semaphore, #tpu.memory_space<semaphore_mem>> -> memref<!tpu.dma_semaphore, #tpu.memory_space<semaphore_mem>>
          %dma_wait3A_621 = arith.constant 0 : i32
          %dma_wait3A_622 = tpu.memref_slice %arg4[%mul3A_4, %dma_wait3A_621] : memref<819200x64xf32, #tpu.memory_space<hbm>> -> memref<128x64xf32, #tpu.memory_space<hbm>>
          %dma_wait3A_623 = arith.constant 0 : i32
          %dma_wait3A_624 = arith.constant 0 : i32
          %dma_wait3A_625 = tpu.memref_slice %arg6[%dma_wait3A_611, %dma_wait3A_623, %dma_wait3A_624] : memref<8x128x64xf32, #tpu.memory_space<vmem>> -> memref<1x128x64xf32, #tpu.memory_space<vmem>>
          %dma_wait3A_626 = tpu.memref_squeeze %dma_wait3A_625 : memref<1x128x64xf32, #tpu.memory_space<vmem>> -> memref<128x64xf32, #tpu.memory_space<vmem>>
          tpu.wait_dma2 semaphore(%dma_wait3A_620 : memref<!tpu.dma_semaphore, #tpu.memory_space<semaphore_mem>>) src(%dma_wait3A_626 : memref<128x64xf32, #tpu.memory_space<vmem>>) dst(%dma_wait3A_622 : memref<128x64xf32, #tpu.memory_space<hbm>>)
        } else {
        }
        %dma_start3A_597 = arith.constant 1 : i32
        %dma_start3A_598 = arith.constant 1 : i32
        %dma_start3A_599 = arith.constant 0 : i32
        %dma_start3A_600 = arith.constant 0 : i32
        %dma_start3A_601 = tpu.memref_slice %arg6[%dma_start3A_597, %dma_start3A_599, %dma_start3A_600] : memref<8x128x64xf32, #tpu.memory_space<vmem>> -> memref<1x128x64xf32, #tpu.memory_space<vmem>>
        %dma_start3A_602 = tpu.memref_squeeze %dma_start3A_601 : memref<1x128x64xf32, #tpu.memory_space<vmem>> -> memref<128x64xf32, #tpu.memory_space<vmem>>
        %dma_start3A_603 = arith.constant 0 : i32
        %dma_start3A_604 = tpu.memref_slice %arg5[%sub3A_334, %dma_start3A_603] : memref<200x128xi32, #tpu.memory_space<vmem>> -> memref<1x128xi32, #tpu.memory_space<vmem>>
        %dma_start3A_605 = tpu.memref_squeeze %dma_start3A_604 : memref<1x128xi32, #tpu.memory_space<vmem>> -> memref<128xi32, #tpu.memory_space<vmem>>
        %dma_start3A_606 = arith.constant 0 : i32
        %dma_start3A_607 = arith.constant 0 : i32
        %dma_start3A_608 = tpu.memref_slice %arg2[%dma_start3A_606, %dma_start3A_607] : memref<1000001x64xf32, #tpu.memory_space<hbm>> -> memref<1000001x64xf32, #tpu.memory_space<hbm>>
        %dma_start3A_609 = tpu.memref_slice %arg7[%dma_start3A_598] : memref<8x!tpu.dma_semaphore, #tpu.memory_space<semaphore_mem>> -> memref<1x!tpu.dma_semaphore, #tpu.memory_space<semaphore_mem>>
        %dma_start3A_610 = tpu.memref_squeeze %dma_start3A_609 : memref<1x!tpu.dma_semaphore, #tpu.memory_space<semaphore_mem>> -> memref<!tpu.dma_semaphore, #tpu.memory_space<semaphore_mem>>
        tpu.enqueue_indirect_dma source(%dma_start3A_608 : memref<1000001x64xf32, #tpu.memory_space<hbm>>) target(%dma_start3A_602 : memref<128x64xf32, #tpu.memory_space<vmem>>) offsets(%dma_start3A_605 : memref<128xi32, #tpu.memory_space<vmem>>) semaphore(%dma_start3A_610 : memref<!tpu.dma_semaphore, #tpu.memory_space<semaphore_mem>>)
      } else {
      }
      %dma_wait3A_340 = arith.constant 2 : i32
      %dma_wait3A_341 = arith.constant 2 : i32
      %dma_wait3A_342 = arith.constant 0 : i32
      %dma_wait3A_343 = arith.constant 0 : i32
      %dma_wait3A_344 = tpu.memref_slice %arg6[%dma_wait3A_340, %dma_wait3A_342, %dma_wait3A_343] : memref<8x128x64xf32, #tpu.memory_space<vmem>> -> memref<1x128x64xf32, #tpu.memory_space<vmem>>
      %dma_wait3A_345 = tpu.memref_squeeze %dma_wait3A_344 : memref<1x128x64xf32, #tpu.memory_space<vmem>> -> memref<128x64xf32, #tpu.memory_space<vmem>>
      %dma_wait3A_346 = arith.constant 0 : i32
      %dma_wait3A_347 = tpu.memref_slice %arg5[%add3A_330, %dma_wait3A_346] : memref<200x128xi32, #tpu.memory_space<vmem>> -> memref<1x128xi32, #tpu.memory_space<vmem>>
      %dma_wait3A_348 = tpu.memref_squeeze %dma_wait3A_347 : memref<1x128xi32, #tpu.memory_space<vmem>> -> memref<128xi32, #tpu.memory_space<vmem>>
      %dma_wait3A_349 = arith.constant 0 : i32
      %dma_wait3A_350 = arith.constant 0 : i32
      %dma_wait3A_351 = tpu.memref_slice %arg2[%dma_wait3A_349, %dma_wait3A_350] : memref<1000001x64xf32, #tpu.memory_space<hbm>> -> memref<1000001x64xf32, #tpu.memory_space<hbm>>
      %dma_wait3A_352 = tpu.memref_slice %arg7[%dma_wait3A_341] : memref<8x!tpu.dma_semaphore, #tpu.memory_space<semaphore_mem>> -> memref<1x!tpu.dma_semaphore, #tpu.memory_space<semaphore_mem>>
      %dma_wait3A_353 = tpu.memref_squeeze %dma_wait3A_352 : memref<1x!tpu.dma_semaphore, #tpu.memory_space<semaphore_mem>> -> memref<!tpu.dma_semaphore, #tpu.memory_space<semaphore_mem>>
      tpu.wait_indirect_dma semaphore(%dma_wait3A_353 : memref<!tpu.dma_semaphore, #tpu.memory_space<semaphore_mem>>) src(%dma_wait3A_351 : memref<1000001x64xf32, #tpu.memory_space<hbm>>) dst(%dma_wait3A_345 : memref<128x64xf32, #tpu.memory_space<vmem>>)
      %mul3A_354 = arith.constant 128 : i32
      %mul3A_355 = arith.muli %add3A_330, %mul3A_354 : i32
      %add3A_356 = arith.addi %mul3A_4, %mul3A_355 : i32
      %dma_start3A_357 = arith.constant 2 : i32
      %dma_start3A_358 = arith.constant 2 : i32
      %dma_start3A_359 = arith.constant 0 : i32
      %dma_start3A_360 = arith.constant 0 : i32
      %dma_start3A_361 = tpu.memref_slice %arg6[%dma_start3A_357, %dma_start3A_359, %dma_start3A_360] : memref<8x128x64xf32, #tpu.memory_space<vmem>> -> memref<1x128x64xf32, #tpu.memory_space<vmem>>
      %dma_start3A_362 = tpu.memref_squeeze %dma_start3A_361 : memref<1x128x64xf32, #tpu.memory_space<vmem>> -> memref<128x64xf32, #tpu.memory_space<vmem>>
      %dma_start3A_363 = arith.constant 0 : i32
      %dma_start3A_364 = tpu.memref_slice %arg4[%add3A_356, %dma_start3A_363] : memref<819200x64xf32, #tpu.memory_space<hbm>> -> memref<128x64xf32, #tpu.memory_space<hbm>>
      %dma_start3A_365 = tpu.memref_slice %arg8[%dma_start3A_358] : memref<8x!tpu.dma_semaphore, #tpu.memory_space<semaphore_mem>> -> memref<1x!tpu.dma_semaphore, #tpu.memory_space<semaphore_mem>>
      %dma_start3A_366 = tpu.memref_squeeze %dma_start3A_365 : memref<1x!tpu.dma_semaphore, #tpu.memory_space<semaphore_mem>> -> memref<!tpu.dma_semaphore, #tpu.memory_space<semaphore_mem>>
      %dma_start3A_367 = arith.constant 0 : i32
      %dma_start3A_368 = tpu.memref_slice %arg4[%add3A_356, %dma_start3A_367] : memref<819200x64xf32, #tpu.memory_space<hbm>> -> memref<128x64xf32, #tpu.memory_space<hbm>>
      %dma_start3A_369 = arith.constant 0 : i32
      %dma_start3A_370 = arith.constant 0 : i32
      %dma_start3A_371 = tpu.memref_slice %arg6[%dma_start3A_357, %dma_start3A_369, %dma_start3A_370] : memref<8x128x64xf32, #tpu.memory_space<vmem>> -> memref<1x128x64xf32, #tpu.memory_space<vmem>>
      %dma_start3A_372 = tpu.memref_squeeze %dma_start3A_371 : memref<1x128x64xf32, #tpu.memory_space<vmem>> -> memref<128x64xf32, #tpu.memory_space<vmem>>
      tpu.enqueue_dma source(%dma_start3A_372 : memref<128x64xf32, #tpu.memory_space<vmem>>) target(%dma_start3A_368 : memref<128x64xf32, #tpu.memory_space<hbm>>) target_semaphore(%dma_start3A_366 : memref<!tpu.dma_semaphore, #tpu.memory_space<semaphore_mem>>)
      %add3A_373 = arith.constant 3 : i32
      %add3A_374 = arith.addi %add3A_244, %add3A_373 : i32
      %add3A_375 = arith.constant 8 : i32
      %add3A_376 = arith.addi %add3A_374, %add3A_375 : i32
      %sub3A_377 = arith.constant 1 : i32
      %sub3A_378 = arith.subi %add3A_376, %sub3A_377 : i32
      %lt3A_379 = arith.constant 200 : i32
      %lt3A_380 = arith.cmpi slt, %sub3A_378, %lt3A_379 : i32
      %convert_element_type3A_381 = arith.extui %lt3A_380 : i1 to i32
      %cond3A_382 = arith.constant 0 : i32
      %cond3A_383 = arith.cmpi ne, %convert_element_type3A_381, %cond3A_382 : i32
      scf.if %cond3A_383 {
        %ge3A = arith.constant 1 : i32
        %ge3A_593 = arith.cmpi sge, %add3A_374, %ge3A : i32
        %convert_element_type3A_594 = arith.extui %ge3A_593 : i1 to i32
        %cond3A_595 = arith.constant 0 : i32
        %cond3A_596 = arith.cmpi ne, %convert_element_type3A_594, %cond3A_595 : i32
        scf.if %cond3A_596 {
          %dma_wait3A_611 = arith.constant 2 : i32
          %dma_wait3A_612 = arith.constant 2 : i32
          %dma_wait3A_613 = arith.constant 0 : i32
          %dma_wait3A_614 = arith.constant 0 : i32
          %dma_wait3A_615 = tpu.memref_slice %arg6[%dma_wait3A_611, %dma_wait3A_613, %dma_wait3A_614] : memref<8x128x64xf32, #tpu.memory_space<vmem>> -> memref<1x128x64xf32, #tpu.memory_space<vmem>>
          %dma_wait3A_616 = tpu.memref_squeeze %dma_wait3A_615 : memref<1x128x64xf32, #tpu.memory_space<vmem>> -> memref<128x64xf32, #tpu.memory_space<vmem>>
          %dma_wait3A_617 = arith.constant 0 : i32
          %dma_wait3A_618 = tpu.memref_slice %arg4[%mul3A_4, %dma_wait3A_617] : memref<819200x64xf32, #tpu.memory_space<hbm>> -> memref<128x64xf32, #tpu.memory_space<hbm>>
          %dma_wait3A_619 = tpu.memref_slice %arg8[%dma_wait3A_612] : memref<8x!tpu.dma_semaphore, #tpu.memory_space<semaphore_mem>> -> memref<1x!tpu.dma_semaphore, #tpu.memory_space<semaphore_mem>>
          %dma_wait3A_620 = tpu.memref_squeeze %dma_wait3A_619 : memref<1x!tpu.dma_semaphore, #tpu.memory_space<semaphore_mem>> -> memref<!tpu.dma_semaphore, #tpu.memory_space<semaphore_mem>>
          %dma_wait3A_621 = arith.constant 0 : i32
          %dma_wait3A_622 = tpu.memref_slice %arg4[%mul3A_4, %dma_wait3A_621] : memref<819200x64xf32, #tpu.memory_space<hbm>> -> memref<128x64xf32, #tpu.memory_space<hbm>>
          %dma_wait3A_623 = arith.constant 0 : i32
          %dma_wait3A_624 = arith.constant 0 : i32
          %dma_wait3A_625 = tpu.memref_slice %arg6[%dma_wait3A_611, %dma_wait3A_623, %dma_wait3A_624] : memref<8x128x64xf32, #tpu.memory_space<vmem>> -> memref<1x128x64xf32, #tpu.memory_space<vmem>>
          %dma_wait3A_626 = tpu.memref_squeeze %dma_wait3A_625 : memref<1x128x64xf32, #tpu.memory_space<vmem>> -> memref<128x64xf32, #tpu.memory_space<vmem>>
          tpu.wait_dma2 semaphore(%dma_wait3A_620 : memref<!tpu.dma_semaphore, #tpu.memory_space<semaphore_mem>>) src(%dma_wait3A_626 : memref<128x64xf32, #tpu.memory_space<vmem>>) dst(%dma_wait3A_622 : memref<128x64xf32, #tpu.memory_space<hbm>>)
        } else {
        }
        %dma_start3A_597 = arith.constant 2 : i32
        %dma_start3A_598 = arith.constant 2 : i32
        %dma_start3A_599 = arith.constant 0 : i32
        %dma_start3A_600 = arith.constant 0 : i32
        %dma_start3A_601 = tpu.memref_slice %arg6[%dma_start3A_597, %dma_start3A_599, %dma_start3A_600] : memref<8x128x64xf32, #tpu.memory_space<vmem>> -> memref<1x128x64xf32, #tpu.memory_space<vmem>>
        %dma_start3A_602 = tpu.memref_squeeze %dma_start3A_601 : memref<1x128x64xf32, #tpu.memory_space<vmem>> -> memref<128x64xf32, #tpu.memory_space<vmem>>
        %dma_start3A_603 = arith.constant 0 : i32
        %dma_start3A_604 = tpu.memref_slice %arg5[%sub3A_378, %dma_start3A_603] : memref<200x128xi32, #tpu.memory_space<vmem>> -> memref<1x128xi32, #tpu.memory_space<vmem>>
        %dma_start3A_605 = tpu.memref_squeeze %dma_start3A_604 : memref<1x128xi32, #tpu.memory_space<vmem>> -> memref<128xi32, #tpu.memory_space<vmem>>
        %dma_start3A_606 = arith.constant 0 : i32
        %dma_start3A_607 = arith.constant 0 : i32
        %dma_start3A_608 = tpu.memref_slice %arg2[%dma_start3A_606, %dma_start3A_607] : memref<1000001x64xf32, #tpu.memory_space<hbm>> -> memref<1000001x64xf32, #tpu.memory_space<hbm>>
        %dma_start3A_609 = tpu.memref_slice %arg7[%dma_start3A_598] : memref<8x!tpu.dma_semaphore, #tpu.memory_space<semaphore_mem>> -> memref<1x!tpu.dma_semaphore, #tpu.memory_space<semaphore_mem>>
        %dma_start3A_610 = tpu.memref_squeeze %dma_start3A_609 : memref<1x!tpu.dma_semaphore, #tpu.memory_space<semaphore_mem>> -> memref<!tpu.dma_semaphore, #tpu.memory_space<semaphore_mem>>
        tpu.enqueue_indirect_dma source(%dma_start3A_608 : memref<1000001x64xf32, #tpu.memory_space<hbm>>) target(%dma_start3A_602 : memref<128x64xf32, #tpu.memory_space<vmem>>) offsets(%dma_start3A_605 : memref<128xi32, #tpu.memory_space<vmem>>) semaphore(%dma_start3A_610 : memref<!tpu.dma_semaphore, #tpu.memory_space<semaphore_mem>>)
      } else {
      }
      %dma_wait3A_384 = arith.constant 3 : i32
      %dma_wait3A_385 = arith.constant 3 : i32
      %dma_wait3A_386 = arith.constant 0 : i32
      %dma_wait3A_387 = arith.constant 0 : i32
      %dma_wait3A_388 = tpu.memref_slice %arg6[%dma_wait3A_384, %dma_wait3A_386, %dma_wait3A_387] : memref<8x128x64xf32, #tpu.memory_space<vmem>> -> memref<1x128x64xf32, #tpu.memory_space<vmem>>
      %dma_wait3A_389 = tpu.memref_squeeze %dma_wait3A_388 : memref<1x128x64xf32, #tpu.memory_space<vmem>> -> memref<128x64xf32, #tpu.memory_space<vmem>>
      %dma_wait3A_390 = arith.constant 0 : i32
      %dma_wait3A_391 = tpu.memref_slice %arg5[%add3A_374, %dma_wait3A_390] : memref<200x128xi32, #tpu.memory_space<vmem>> -> memref<1x128xi32, #tpu.memory_space<vmem>>
      %dma_wait3A_392 = tpu.memref_squeeze %dma_wait3A_391 : memref<1x128xi32, #tpu.memory_space<vmem>> -> memref<128xi32, #tpu.memory_space<vmem>>
      %dma_wait3A_393 = arith.constant 0 : i32
      %dma_wait3A_394 = arith.constant 0 : i32
      %dma_wait3A_395 = tpu.memref_slice %arg2[%dma_wait3A_393, %dma_wait3A_394] : memref<1000001x64xf32, #tpu.memory_space<hbm>> -> memref<1000001x64xf32, #tpu.memory_space<hbm>>
      %dma_wait3A_396 = tpu.memref_slice %arg7[%dma_wait3A_385] : memref<8x!tpu.dma_semaphore, #tpu.memory_space<semaphore_mem>> -> memref<1x!tpu.dma_semaphore, #tpu.memory_space<semaphore_mem>>
      %dma_wait3A_397 = tpu.memref_squeeze %dma_wait3A_396 : memref<1x!tpu.dma_semaphore, #tpu.memory_space<semaphore_mem>> -> memref<!tpu.dma_semaphore, #tpu.memory_space<semaphore_mem>>
      tpu.wait_indirect_dma semaphore(%dma_wait3A_397 : memref<!tpu.dma_semaphore, #tpu.memory_space<semaphore_mem>>) src(%dma_wait3A_395 : memref<1000001x64xf32, #tpu.memory_space<hbm>>) dst(%dma_wait3A_389 : memref<128x64xf32, #tpu.memory_space<vmem>>)
      %mul3A_398 = arith.constant 128 : i32
      %mul3A_399 = arith.muli %add3A_374, %mul3A_398 : i32
      %add3A_400 = arith.addi %mul3A_4, %mul3A_399 : i32
      %dma_start3A_401 = arith.constant 3 : i32
      %dma_start3A_402 = arith.constant 3 : i32
      %dma_start3A_403 = arith.constant 0 : i32
      %dma_start3A_404 = arith.constant 0 : i32
      %dma_start3A_405 = tpu.memref_slice %arg6[%dma_start3A_401, %dma_start3A_403, %dma_start3A_404] : memref<8x128x64xf32, #tpu.memory_space<vmem>> -> memref<1x128x64xf32, #tpu.memory_space<vmem>>
      %dma_start3A_406 = tpu.memref_squeeze %dma_start3A_405 : memref<1x128x64xf32, #tpu.memory_space<vmem>> -> memref<128x64xf32, #tpu.memory_space<vmem>>
      %dma_start3A_407 = arith.constant 0 : i32
      %dma_start3A_408 = tpu.memref_slice %arg4[%add3A_400, %dma_start3A_407] : memref<819200x64xf32, #tpu.memory_space<hbm>> -> memref<128x64xf32, #tpu.memory_space<hbm>>
      %dma_start3A_409 = tpu.memref_slice %arg8[%dma_start3A_402] : memref<8x!tpu.dma_semaphore, #tpu.memory_space<semaphore_mem>> -> memref<1x!tpu.dma_semaphore, #tpu.memory_space<semaphore_mem>>
      %dma_start3A_410 = tpu.memref_squeeze %dma_start3A_409 : memref<1x!tpu.dma_semaphore, #tpu.memory_space<semaphore_mem>> -> memref<!tpu.dma_semaphore, #tpu.memory_space<semaphore_mem>>
      %dma_start3A_411 = arith.constant 0 : i32
      %dma_start3A_412 = tpu.memref_slice %arg4[%add3A_400, %dma_start3A_411] : memref<819200x64xf32, #tpu.memory_space<hbm>> -> memref<128x64xf32, #tpu.memory_space<hbm>>
      %dma_start3A_413 = arith.constant 0 : i32
      %dma_start3A_414 = arith.constant 0 : i32
      %dma_start3A_415 = tpu.memref_slice %arg6[%dma_start3A_401, %dma_start3A_413, %dma_start3A_414] : memref<8x128x64xf32, #tpu.memory_space<vmem>> -> memref<1x128x64xf32, #tpu.memory_space<vmem>>
      %dma_start3A_416 = tpu.memref_squeeze %dma_start3A_415 : memref<1x128x64xf32, #tpu.memory_space<vmem>> -> memref<128x64xf32, #tpu.memory_space<vmem>>
      tpu.enqueue_dma source(%dma_start3A_416 : memref<128x64xf32, #tpu.memory_space<vmem>>) target(%dma_start3A_412 : memref<128x64xf32, #tpu.memory_space<hbm>>) target_semaphore(%dma_start3A_410 : memref<!tpu.dma_semaphore, #tpu.memory_space<semaphore_mem>>)
      %add3A_417 = arith.constant 4 : i32
      %add3A_418 = arith.addi %add3A_244, %add3A_417 : i32
      %add3A_419 = arith.constant 8 : i32
      %add3A_420 = arith.addi %add3A_418, %add3A_419 : i32
      %sub3A_421 = arith.constant 1 : i32
      %sub3A_422 = arith.subi %add3A_420, %sub3A_421 : i32
      %lt3A_423 = arith.constant 200 : i32
      %lt3A_424 = arith.cmpi slt, %sub3A_422, %lt3A_423 : i32
      %convert_element_type3A_425 = arith.extui %lt3A_424 : i1 to i32
      %cond3A_426 = arith.constant 0 : i32
      %cond3A_427 = arith.cmpi ne, %convert_element_type3A_425, %cond3A_426 : i32
      scf.if %cond3A_427 {
        %ge3A = arith.constant 1 : i32
        %ge3A_593 = arith.cmpi sge, %add3A_418, %ge3A : i32
        %convert_element_type3A_594 = arith.extui %ge3A_593 : i1 to i32
        %cond3A_595 = arith.constant 0 : i32
        %cond3A_596 = arith.cmpi ne, %convert_element_type3A_594, %cond3A_595 : i32
        scf.if %cond3A_596 {
          %dma_wait3A_611 = arith.constant 3 : i32
          %dma_wait3A_612 = arith.constant 3 : i32
          %dma_wait3A_613 = arith.constant 0 : i32
          %dma_wait3A_614 = arith.constant 0 : i32
          %dma_wait3A_615 = tpu.memref_slice %arg6[%dma_wait3A_611, %dma_wait3A_613, %dma_wait3A_614] : memref<8x128x64xf32, #tpu.memory_space<vmem>> -> memref<1x128x64xf32, #tpu.memory_space<vmem>>
          %dma_wait3A_616 = tpu.memref_squeeze %dma_wait3A_615 : memref<1x128x64xf32, #tpu.memory_space<vmem>> -> memref<128x64xf32, #tpu.memory_space<vmem>>
          %dma_wait3A_617 = arith.constant 0 : i32
          %dma_wait3A_618 = tpu.memref_slice %arg4[%mul3A_4, %dma_wait3A_617] : memref<819200x64xf32, #tpu.memory_space<hbm>> -> memref<128x64xf32, #tpu.memory_space<hbm>>
          %dma_wait3A_619 = tpu.memref_slice %arg8[%dma_wait3A_612] : memref<8x!tpu.dma_semaphore, #tpu.memory_space<semaphore_mem>> -> memref<1x!tpu.dma_semaphore, #tpu.memory_space<semaphore_mem>>
          %dma_wait3A_620 = tpu.memref_squeeze %dma_wait3A_619 : memref<1x!tpu.dma_semaphore, #tpu.memory_space<semaphore_mem>> -> memref<!tpu.dma_semaphore, #tpu.memory_space<semaphore_mem>>
          %dma_wait3A_621 = arith.constant 0 : i32
          %dma_wait3A_622 = tpu.memref_slice %arg4[%mul3A_4, %dma_wait3A_621] : memref<819200x64xf32, #tpu.memory_space<hbm>> -> memref<128x64xf32, #tpu.memory_space<hbm>>
          %dma_wait3A_623 = arith.constant 0 : i32
          %dma_wait3A_624 = arith.constant 0 : i32
          %dma_wait3A_625 = tpu.memref_slice %arg6[%dma_wait3A_611, %dma_wait3A_623, %dma_wait3A_624] : memref<8x128x64xf32, #tpu.memory_space<vmem>> -> memref<1x128x64xf32, #tpu.memory_space<vmem>>
          %dma_wait3A_626 = tpu.memref_squeeze %dma_wait3A_625 : memref<1x128x64xf32, #tpu.memory_space<vmem>> -> memref<128x64xf32, #tpu.memory_space<vmem>>
          tpu.wait_dma2 semaphore(%dma_wait3A_620 : memref<!tpu.dma_semaphore, #tpu.memory_space<semaphore_mem>>) src(%dma_wait3A_626 : memref<128x64xf32, #tpu.memory_space<vmem>>) dst(%dma_wait3A_622 : memref<128x64xf32, #tpu.memory_space<hbm>>)
        } else {
        }
        %dma_start3A_597 = arith.constant 3 : i32
        %dma_start3A_598 = arith.constant 3 : i32
        %dma_start3A_599 = arith.constant 0 : i32
        %dma_start3A_600 = arith.constant 0 : i32
        %dma_start3A_601 = tpu.memref_slice %arg6[%dma_start3A_597, %dma_start3A_599, %dma_start3A_600] : memref<8x128x64xf32, #tpu.memory_space<vmem>> -> memref<1x128x64xf32, #tpu.memory_space<vmem>>
        %dma_start3A_602 = tpu.memref_squeeze %dma_start3A_601 : memref<1x128x64xf32, #tpu.memory_space<vmem>> -> memref<128x64xf32, #tpu.memory_space<vmem>>
        %dma_start3A_603 = arith.constant 0 : i32
        %dma_start3A_604 = tpu.memref_slice %arg5[%sub3A_422, %dma_start3A_603] : memref<200x128xi32, #tpu.memory_space<vmem>> -> memref<1x128xi32, #tpu.memory_space<vmem>>
        %dma_start3A_605 = tpu.memref_squeeze %dma_start3A_604 : memref<1x128xi32, #tpu.memory_space<vmem>> -> memref<128xi32, #tpu.memory_space<vmem>>
        %dma_start3A_606 = arith.constant 0 : i32
        %dma_start3A_607 = arith.constant 0 : i32
        %dma_start3A_608 = tpu.memref_slice %arg2[%dma_start3A_606, %dma_start3A_607] : memref<1000001x64xf32, #tpu.memory_space<hbm>> -> memref<1000001x64xf32, #tpu.memory_space<hbm>>
        %dma_start3A_609 = tpu.memref_slice %arg7[%dma_start3A_598] : memref<8x!tpu.dma_semaphore, #tpu.memory_space<semaphore_mem>> -> memref<1x!tpu.dma_semaphore, #tpu.memory_space<semaphore_mem>>
        %dma_start3A_610 = tpu.memref_squeeze %dma_start3A_609 : memref<1x!tpu.dma_semaphore, #tpu.memory_space<semaphore_mem>> -> memref<!tpu.dma_semaphore, #tpu.memory_space<semaphore_mem>>
        tpu.enqueue_indirect_dma source(%dma_start3A_608 : memref<1000001x64xf32, #tpu.memory_space<hbm>>) target(%dma_start3A_602 : memref<128x64xf32, #tpu.memory_space<vmem>>) offsets(%dma_start3A_605 : memref<128xi32, #tpu.memory_space<vmem>>) semaphore(%dma_start3A_610 : memref<!tpu.dma_semaphore, #tpu.memory_space<semaphore_mem>>)
      } else {
      }
      %dma_wait3A_428 = arith.constant 4 : i32
      %dma_wait3A_429 = arith.constant 4 : i32
      %dma_wait3A_430 = arith.constant 0 : i32
      %dma_wait3A_431 = arith.constant 0 : i32
      %dma_wait3A_432 = tpu.memref_slice %arg6[%dma_wait3A_428, %dma_wait3A_430, %dma_wait3A_431] : memref<8x128x64xf32, #tpu.memory_space<vmem>> -> memref<1x128x64xf32, #tpu.memory_space<vmem>>
      %dma_wait3A_433 = tpu.memref_squeeze %dma_wait3A_432 : memref<1x128x64xf32, #tpu.memory_space<vmem>> -> memref<128x64xf32, #tpu.memory_space<vmem>>
      %dma_wait3A_434 = arith.constant 0 : i32
      %dma_wait3A_435 = tpu.memref_slice %arg5[%add3A_418, %dma_wait3A_434] : memref<200x128xi32, #tpu.memory_space<vmem>> -> memref<1x128xi32, #tpu.memory_space<vmem>>
      %dma_wait3A_436 = tpu.memref_squeeze %dma_wait3A_435 : memref<1x128xi32, #tpu.memory_space<vmem>> -> memref<128xi32, #tpu.memory_space<vmem>>
      %dma_wait3A_437 = arith.constant 0 : i32
      %dma_wait3A_438 = arith.constant 0 : i32
      %dma_wait3A_439 = tpu.memref_slice %arg2[%dma_wait3A_437, %dma_wait3A_438] : memref<1000001x64xf32, #tpu.memory_space<hbm>> -> memref<1000001x64xf32, #tpu.memory_space<hbm>>
      %dma_wait3A_440 = tpu.memref_slice %arg7[%dma_wait3A_429] : memref<8x!tpu.dma_semaphore, #tpu.memory_space<semaphore_mem>> -> memref<1x!tpu.dma_semaphore, #tpu.memory_space<semaphore_mem>>
      %dma_wait3A_441 = tpu.memref_squeeze %dma_wait3A_440 : memref<1x!tpu.dma_semaphore, #tpu.memory_space<semaphore_mem>> -> memref<!tpu.dma_semaphore, #tpu.memory_space<semaphore_mem>>
      tpu.wait_indirect_dma semaphore(%dma_wait3A_441 : memref<!tpu.dma_semaphore, #tpu.memory_space<semaphore_mem>>) src(%dma_wait3A_439 : memref<1000001x64xf32, #tpu.memory_space<hbm>>) dst(%dma_wait3A_433 : memref<128x64xf32, #tpu.memory_space<vmem>>)
      %mul3A_442 = arith.constant 128 : i32
      %mul3A_443 = arith.muli %add3A_418, %mul3A_442 : i32
      %add3A_444 = arith.addi %mul3A_4, %mul3A_443 : i32
      %dma_start3A_445 = arith.constant 4 : i32
      %dma_start3A_446 = arith.constant 4 : i32
      %dma_start3A_447 = arith.constant 0 : i32
      %dma_start3A_448 = arith.constant 0 : i32
      %dma_start3A_449 = tpu.memref_slice %arg6[%dma_start3A_445, %dma_start3A_447, %dma_start3A_448] : memref<8x128x64xf32, #tpu.memory_space<vmem>> -> memref<1x128x64xf32, #tpu.memory_space<vmem>>
      %dma_start3A_450 = tpu.memref_squeeze %dma_start3A_449 : memref<1x128x64xf32, #tpu.memory_space<vmem>> -> memref<128x64xf32, #tpu.memory_space<vmem>>
      %dma_start3A_451 = arith.constant 0 : i32
      %dma_start3A_452 = tpu.memref_slice %arg4[%add3A_444, %dma_start3A_451] : memref<819200x64xf32, #tpu.memory_space<hbm>> -> memref<128x64xf32, #tpu.memory_space<hbm>>
      %dma_start3A_453 = tpu.memref_slice %arg8[%dma_start3A_446] : memref<8x!tpu.dma_semaphore, #tpu.memory_space<semaphore_mem>> -> memref<1x!tpu.dma_semaphore, #tpu.memory_space<semaphore_mem>>
      %dma_start3A_454 = tpu.memref_squeeze %dma_start3A_453 : memref<1x!tpu.dma_semaphore, #tpu.memory_space<semaphore_mem>> -> memref<!tpu.dma_semaphore, #tpu.memory_space<semaphore_mem>>
      %dma_start3A_455 = arith.constant 0 : i32
      %dma_start3A_456 = tpu.memref_slice %arg4[%add3A_444, %dma_start3A_455] : memref<819200x64xf32, #tpu.memory_space<hbm>> -> memref<128x64xf32, #tpu.memory_space<hbm>>
      %dma_start3A_457 = arith.constant 0 : i32
      %dma_start3A_458 = arith.constant 0 : i32
      %dma_start3A_459 = tpu.memref_slice %arg6[%dma_start3A_445, %dma_start3A_457, %dma_start3A_458] : memref<8x128x64xf32, #tpu.memory_space<vmem>> -> memref<1x128x64xf32, #tpu.memory_space<vmem>>
      %dma_start3A_460 = tpu.memref_squeeze %dma_start3A_459 : memref<1x128x64xf32, #tpu.memory_space<vmem>> -> memref<128x64xf32, #tpu.memory_space<vmem>>
      tpu.enqueue_dma source(%dma_start3A_460 : memref<128x64xf32, #tpu.memory_space<vmem>>) target(%dma_start3A_456 : memref<128x64xf32, #tpu.memory_space<hbm>>) target_semaphore(%dma_start3A_454 : memref<!tpu.dma_semaphore, #tpu.memory_space<semaphore_mem>>)
      %add3A_461 = arith.constant 5 : i32
      %add3A_462 = arith.addi %add3A_244, %add3A_461 : i32
      %add3A_463 = arith.constant 8 : i32
      %add3A_464 = arith.addi %add3A_462, %add3A_463 : i32
      %sub3A_465 = arith.constant 1 : i32
      %sub3A_466 = arith.subi %add3A_464, %sub3A_465 : i32
      %lt3A_467 = arith.constant 200 : i32
      %lt3A_468 = arith.cmpi slt, %sub3A_466, %lt3A_467 : i32
      %convert_element_type3A_469 = arith.extui %lt3A_468 : i1 to i32
      %cond3A_470 = arith.constant 0 : i32
      %cond3A_471 = arith.cmpi ne, %convert_element_type3A_469, %cond3A_470 : i32
      scf.if %cond3A_471 {
        %ge3A = arith.constant 1 : i32
        %ge3A_593 = arith.cmpi sge, %add3A_462, %ge3A : i32
        %convert_element_type3A_594 = arith.extui %ge3A_593 : i1 to i32
        %cond3A_595 = arith.constant 0 : i32
        %cond3A_596 = arith.cmpi ne, %convert_element_type3A_594, %cond3A_595 : i32
        scf.if %cond3A_596 {
          %dma_wait3A_611 = arith.constant 4 : i32
          %dma_wait3A_612 = arith.constant 4 : i32
          %dma_wait3A_613 = arith.constant 0 : i32
          %dma_wait3A_614 = arith.constant 0 : i32
          %dma_wait3A_615 = tpu.memref_slice %arg6[%dma_wait3A_611, %dma_wait3A_613, %dma_wait3A_614] : memref<8x128x64xf32, #tpu.memory_space<vmem>> -> memref<1x128x64xf32, #tpu.memory_space<vmem>>
          %dma_wait3A_616 = tpu.memref_squeeze %dma_wait3A_615 : memref<1x128x64xf32, #tpu.memory_space<vmem>> -> memref<128x64xf32, #tpu.memory_space<vmem>>
          %dma_wait3A_617 = arith.constant 0 : i32
          %dma_wait3A_618 = tpu.memref_slice %arg4[%mul3A_4, %dma_wait3A_617] : memref<819200x64xf32, #tpu.memory_space<hbm>> -> memref<128x64xf32, #tpu.memory_space<hbm>>
          %dma_wait3A_619 = tpu.memref_slice %arg8[%dma_wait3A_612] : memref<8x!tpu.dma_semaphore, #tpu.memory_space<semaphore_mem>> -> memref<1x!tpu.dma_semaphore, #tpu.memory_space<semaphore_mem>>
          %dma_wait3A_620 = tpu.memref_squeeze %dma_wait3A_619 : memref<1x!tpu.dma_semaphore, #tpu.memory_space<semaphore_mem>> -> memref<!tpu.dma_semaphore, #tpu.memory_space<semaphore_mem>>
          %dma_wait3A_621 = arith.constant 0 : i32
          %dma_wait3A_622 = tpu.memref_slice %arg4[%mul3A_4, %dma_wait3A_621] : memref<819200x64xf32, #tpu.memory_space<hbm>> -> memref<128x64xf32, #tpu.memory_space<hbm>>
          %dma_wait3A_623 = arith.constant 0 : i32
          %dma_wait3A_624 = arith.constant 0 : i32
          %dma_wait3A_625 = tpu.memref_slice %arg6[%dma_wait3A_611, %dma_wait3A_623, %dma_wait3A_624] : memref<8x128x64xf32, #tpu.memory_space<vmem>> -> memref<1x128x64xf32, #tpu.memory_space<vmem>>
          %dma_wait3A_626 = tpu.memref_squeeze %dma_wait3A_625 : memref<1x128x64xf32, #tpu.memory_space<vmem>> -> memref<128x64xf32, #tpu.memory_space<vmem>>
          tpu.wait_dma2 semaphore(%dma_wait3A_620 : memref<!tpu.dma_semaphore, #tpu.memory_space<semaphore_mem>>) src(%dma_wait3A_626 : memref<128x64xf32, #tpu.memory_space<vmem>>) dst(%dma_wait3A_622 : memref<128x64xf32, #tpu.memory_space<hbm>>)
        } else {
        }
        %dma_start3A_597 = arith.constant 4 : i32
        %dma_start3A_598 = arith.constant 4 : i32
        %dma_start3A_599 = arith.constant 0 : i32
        %dma_start3A_600 = arith.constant 0 : i32
        %dma_start3A_601 = tpu.memref_slice %arg6[%dma_start3A_597, %dma_start3A_599, %dma_start3A_600] : memref<8x128x64xf32, #tpu.memory_space<vmem>> -> memref<1x128x64xf32, #tpu.memory_space<vmem>>
        %dma_start3A_602 = tpu.memref_squeeze %dma_start3A_601 : memref<1x128x64xf32, #tpu.memory_space<vmem>> -> memref<128x64xf32, #tpu.memory_space<vmem>>
        %dma_start3A_603 = arith.constant 0 : i32
        %dma_start3A_604 = tpu.memref_slice %arg5[%sub3A_466, %dma_start3A_603] : memref<200x128xi32, #tpu.memory_space<vmem>> -> memref<1x128xi32, #tpu.memory_space<vmem>>
        %dma_start3A_605 = tpu.memref_squeeze %dma_start3A_604 : memref<1x128xi32, #tpu.memory_space<vmem>> -> memref<128xi32, #tpu.memory_space<vmem>>
        %dma_start3A_606 = arith.constant 0 : i32
        %dma_start3A_607 = arith.constant 0 : i32
        %dma_start3A_608 = tpu.memref_slice %arg2[%dma_start3A_606, %dma_start3A_607] : memref<1000001x64xf32, #tpu.memory_space<hbm>> -> memref<1000001x64xf32, #tpu.memory_space<hbm>>
        %dma_start3A_609 = tpu.memref_slice %arg7[%dma_start3A_598] : memref<8x!tpu.dma_semaphore, #tpu.memory_space<semaphore_mem>> -> memref<1x!tpu.dma_semaphore, #tpu.memory_space<semaphore_mem>>
        %dma_start3A_610 = tpu.memref_squeeze %dma_start3A_609 : memref<1x!tpu.dma_semaphore, #tpu.memory_space<semaphore_mem>> -> memref<!tpu.dma_semaphore, #tpu.memory_space<semaphore_mem>>
        tpu.enqueue_indirect_dma source(%dma_start3A_608 : memref<1000001x64xf32, #tpu.memory_space<hbm>>) target(%dma_start3A_602 : memref<128x64xf32, #tpu.memory_space<vmem>>) offsets(%dma_start3A_605 : memref<128xi32, #tpu.memory_space<vmem>>) semaphore(%dma_start3A_610 : memref<!tpu.dma_semaphore, #tpu.memory_space<semaphore_mem>>)
      } else {
      }
      %dma_wait3A_472 = arith.constant 5 : i32
      %dma_wait3A_473 = arith.constant 5 : i32
      %dma_wait3A_474 = arith.constant 0 : i32
      %dma_wait3A_475 = arith.constant 0 : i32
      %dma_wait3A_476 = tpu.memref_slice %arg6[%dma_wait3A_472, %dma_wait3A_474, %dma_wait3A_475] : memref<8x128x64xf32, #tpu.memory_space<vmem>> -> memref<1x128x64xf32, #tpu.memory_space<vmem>>
      %dma_wait3A_477 = tpu.memref_squeeze %dma_wait3A_476 : memref<1x128x64xf32, #tpu.memory_space<vmem>> -> memref<128x64xf32, #tpu.memory_space<vmem>>
      %dma_wait3A_478 = arith.constant 0 : i32
      %dma_wait3A_479 = tpu.memref_slice %arg5[%add3A_462, %dma_wait3A_478] : memref<200x128xi32, #tpu.memory_space<vmem>> -> memref<1x128xi32, #tpu.memory_space<vmem>>
      %dma_wait3A_480 = tpu.memref_squeeze %dma_wait3A_479 : memref<1x128xi32, #tpu.memory_space<vmem>> -> memref<128xi32, #tpu.memory_space<vmem>>
      %dma_wait3A_481 = arith.constant 0 : i32
      %dma_wait3A_482 = arith.constant 0 : i32
      %dma_wait3A_483 = tpu.memref_slice %arg2[%dma_wait3A_481, %dma_wait3A_482] : memref<1000001x64xf32, #tpu.memory_space<hbm>> -> memref<1000001x64xf32, #tpu.memory_space<hbm>>
      %dma_wait3A_484 = tpu.memref_slice %arg7[%dma_wait3A_473] : memref<8x!tpu.dma_semaphore, #tpu.memory_space<semaphore_mem>> -> memref<1x!tpu.dma_semaphore, #tpu.memory_space<semaphore_mem>>
      %dma_wait3A_485 = tpu.memref_squeeze %dma_wait3A_484 : memref<1x!tpu.dma_semaphore, #tpu.memory_space<semaphore_mem>> -> memref<!tpu.dma_semaphore, #tpu.memory_space<semaphore_mem>>
      tpu.wait_indirect_dma semaphore(%dma_wait3A_485 : memref<!tpu.dma_semaphore, #tpu.memory_space<semaphore_mem>>) src(%dma_wait3A_483 : memref<1000001x64xf32, #tpu.memory_space<hbm>>) dst(%dma_wait3A_477 : memref<128x64xf32, #tpu.memory_space<vmem>>)
      %mul3A_486 = arith.constant 128 : i32
      %mul3A_487 = arith.muli %add3A_462, %mul3A_486 : i32
      %add3A_488 = arith.addi %mul3A_4, %mul3A_487 : i32
      %dma_start3A_489 = arith.constant 5 : i32
      %dma_start3A_490 = arith.constant 5 : i32
      %dma_start3A_491 = arith.constant 0 : i32
      %dma_start3A_492 = arith.constant 0 : i32
      %dma_start3A_493 = tpu.memref_slice %arg6[%dma_start3A_489, %dma_start3A_491, %dma_start3A_492] : memref<8x128x64xf32, #tpu.memory_space<vmem>> -> memref<1x128x64xf32, #tpu.memory_space<vmem>>
      %dma_start3A_494 = tpu.memref_squeeze %dma_start3A_493 : memref<1x128x64xf32, #tpu.memory_space<vmem>> -> memref<128x64xf32, #tpu.memory_space<vmem>>
      %dma_start3A_495 = arith.constant 0 : i32
      %dma_start3A_496 = tpu.memref_slice %arg4[%add3A_488, %dma_start3A_495] : memref<819200x64xf32, #tpu.memory_space<hbm>> -> memref<128x64xf32, #tpu.memory_space<hbm>>
      %dma_start3A_497 = tpu.memref_slice %arg8[%dma_start3A_490] : memref<8x!tpu.dma_semaphore, #tpu.memory_space<semaphore_mem>> -> memref<1x!tpu.dma_semaphore, #tpu.memory_space<semaphore_mem>>
      %dma_start3A_498 = tpu.memref_squeeze %dma_start3A_497 : memref<1x!tpu.dma_semaphore, #tpu.memory_space<semaphore_mem>> -> memref<!tpu.dma_semaphore, #tpu.memory_space<semaphore_mem>>
      %dma_start3A_499 = arith.constant 0 : i32
      %dma_start3A_500 = tpu.memref_slice %arg4[%add3A_488, %dma_start3A_499] : memref<819200x64xf32, #tpu.memory_space<hbm>> -> memref<128x64xf32, #tpu.memory_space<hbm>>
      %dma_start3A_501 = arith.constant 0 : i32
      %dma_start3A_502 = arith.constant 0 : i32
      %dma_start3A_503 = tpu.memref_slice %arg6[%dma_start3A_489, %dma_start3A_501, %dma_start3A_502] : memref<8x128x64xf32, #tpu.memory_space<vmem>> -> memref<1x128x64xf32, #tpu.memory_space<vmem>>
      %dma_start3A_504 = tpu.memref_squeeze %dma_start3A_503 : memref<1x128x64xf32, #tpu.memory_space<vmem>> -> memref<128x64xf32, #tpu.memory_space<vmem>>
      tpu.enqueue_dma source(%dma_start3A_504 : memref<128x64xf32, #tpu.memory_space<vmem>>) target(%dma_start3A_500 : memref<128x64xf32, #tpu.memory_space<hbm>>) target_semaphore(%dma_start3A_498 : memref<!tpu.dma_semaphore, #tpu.memory_space<semaphore_mem>>)
      %add3A_505 = arith.constant 6 : i32
      %add3A_506 = arith.addi %add3A_244, %add3A_505 : i32
      %add3A_507 = arith.constant 8 : i32
      %add3A_508 = arith.addi %add3A_506, %add3A_507 : i32
      %sub3A_509 = arith.constant 1 : i32
      %sub3A_510 = arith.subi %add3A_508, %sub3A_509 : i32
      %lt3A_511 = arith.constant 200 : i32
      %lt3A_512 = arith.cmpi slt, %sub3A_510, %lt3A_511 : i32
      %convert_element_type3A_513 = arith.extui %lt3A_512 : i1 to i32
      %cond3A_514 = arith.constant 0 : i32
      %cond3A_515 = arith.cmpi ne, %convert_element_type3A_513, %cond3A_514 : i32
      scf.if %cond3A_515 {
        %ge3A = arith.constant 1 : i32
        %ge3A_593 = arith.cmpi sge, %add3A_506, %ge3A : i32
        %convert_element_type3A_594 = arith.extui %ge3A_593 : i1 to i32
        %cond3A_595 = arith.constant 0 : i32
        %cond3A_596 = arith.cmpi ne, %convert_element_type3A_594, %cond3A_595 : i32
        scf.if %cond3A_596 {
          %dma_wait3A_611 = arith.constant 5 : i32
          %dma_wait3A_612 = arith.constant 5 : i32
          %dma_wait3A_613 = arith.constant 0 : i32
          %dma_wait3A_614 = arith.constant 0 : i32
          %dma_wait3A_615 = tpu.memref_slice %arg6[%dma_wait3A_611, %dma_wait3A_613, %dma_wait3A_614] : memref<8x128x64xf32, #tpu.memory_space<vmem>> -> memref<1x128x64xf32, #tpu.memory_space<vmem>>
          %dma_wait3A_616 = tpu.memref_squeeze %dma_wait3A_615 : memref<1x128x64xf32, #tpu.memory_space<vmem>> -> memref<128x64xf32, #tpu.memory_space<vmem>>
          %dma_wait3A_617 = arith.constant 0 : i32
          %dma_wait3A_618 = tpu.memref_slice %arg4[%mul3A_4, %dma_wait3A_617] : memref<819200x64xf32, #tpu.memory_space<hbm>> -> memref<128x64xf32, #tpu.memory_space<hbm>>
          %dma_wait3A_619 = tpu.memref_slice %arg8[%dma_wait3A_612] : memref<8x!tpu.dma_semaphore, #tpu.memory_space<semaphore_mem>> -> memref<1x!tpu.dma_semaphore, #tpu.memory_space<semaphore_mem>>
          %dma_wait3A_620 = tpu.memref_squeeze %dma_wait3A_619 : memref<1x!tpu.dma_semaphore, #tpu.memory_space<semaphore_mem>> -> memref<!tpu.dma_semaphore, #tpu.memory_space<semaphore_mem>>
          %dma_wait3A_621 = arith.constant 0 : i32
          %dma_wait3A_622 = tpu.memref_slice %arg4[%mul3A_4, %dma_wait3A_621] : memref<819200x64xf32, #tpu.memory_space<hbm>> -> memref<128x64xf32, #tpu.memory_space<hbm>>
          %dma_wait3A_623 = arith.constant 0 : i32
          %dma_wait3A_624 = arith.constant 0 : i32
          %dma_wait3A_625 = tpu.memref_slice %arg6[%dma_wait3A_611, %dma_wait3A_623, %dma_wait3A_624] : memref<8x128x64xf32, #tpu.memory_space<vmem>> -> memref<1x128x64xf32, #tpu.memory_space<vmem>>
          %dma_wait3A_626 = tpu.memref_squeeze %dma_wait3A_625 : memref<1x128x64xf32, #tpu.memory_space<vmem>> -> memref<128x64xf32, #tpu.memory_space<vmem>>
          tpu.wait_dma2 semaphore(%dma_wait3A_620 : memref<!tpu.dma_semaphore, #tpu.memory_space<semaphore_mem>>) src(%dma_wait3A_626 : memref<128x64xf32, #tpu.memory_space<vmem>>) dst(%dma_wait3A_622 : memref<128x64xf32, #tpu.memory_space<hbm>>)
        } else {
        }
        %dma_start3A_597 = arith.constant 5 : i32
        %dma_start3A_598 = arith.constant 5 : i32
        %dma_start3A_599 = arith.constant 0 : i32
        %dma_start3A_600 = arith.constant 0 : i32
        %dma_start3A_601 = tpu.memref_slice %arg6[%dma_start3A_597, %dma_start3A_599, %dma_start3A_600] : memref<8x128x64xf32, #tpu.memory_space<vmem>> -> memref<1x128x64xf32, #tpu.memory_space<vmem>>
        %dma_start3A_602 = tpu.memref_squeeze %dma_start3A_601 : memref<1x128x64xf32, #tpu.memory_space<vmem>> -> memref<128x64xf32, #tpu.memory_space<vmem>>
        %dma_start3A_603 = arith.constant 0 : i32
        %dma_start3A_604 = tpu.memref_slice %arg5[%sub3A_510, %dma_start3A_603] : memref<200x128xi32, #tpu.memory_space<vmem>> -> memref<1x128xi32, #tpu.memory_space<vmem>>
        %dma_start3A_605 = tpu.memref_squeeze %dma_start3A_604 : memref<1x128xi32, #tpu.memory_space<vmem>> -> memref<128xi32, #tpu.memory_space<vmem>>
        %dma_start3A_606 = arith.constant 0 : i32
        %dma_start3A_607 = arith.constant 0 : i32
        %dma_start3A_608 = tpu.memref_slice %arg2[%dma_start3A_606, %dma_start3A_607] : memref<1000001x64xf32, #tpu.memory_space<hbm>> -> memref<1000001x64xf32, #tpu.memory_space<hbm>>
        %dma_start3A_609 = tpu.memref_slice %arg7[%dma_start3A_598] : memref<8x!tpu.dma_semaphore, #tpu.memory_space<semaphore_mem>> -> memref<1x!tpu.dma_semaphore, #tpu.memory_space<semaphore_mem>>
        %dma_start3A_610 = tpu.memref_squeeze %dma_start3A_609 : memref<1x!tpu.dma_semaphore, #tpu.memory_space<semaphore_mem>> -> memref<!tpu.dma_semaphore, #tpu.memory_space<semaphore_mem>>
        tpu.enqueue_indirect_dma source(%dma_start3A_608 : memref<1000001x64xf32, #tpu.memory_space<hbm>>) target(%dma_start3A_602 : memref<128x64xf32, #tpu.memory_space<vmem>>) offsets(%dma_start3A_605 : memref<128xi32, #tpu.memory_space<vmem>>) semaphore(%dma_start3A_610 : memref<!tpu.dma_semaphore, #tpu.memory_space<semaphore_mem>>)
      } else {
      }
      %dma_wait3A_516 = arith.constant 6 : i32
      %dma_wait3A_517 = arith.constant 6 : i32
      %dma_wait3A_518 = arith.constant 0 : i32
      %dma_wait3A_519 = arith.constant 0 : i32
      %dma_wait3A_520 = tpu.memref_slice %arg6[%dma_wait3A_516, %dma_wait3A_518, %dma_wait3A_519] : memref<8x128x64xf32, #tpu.memory_space<vmem>> -> memref<1x128x64xf32, #tpu.memory_space<vmem>>
      %dma_wait3A_521 = tpu.memref_squeeze %dma_wait3A_520 : memref<1x128x64xf32, #tpu.memory_space<vmem>> -> memref<128x64xf32, #tpu.memory_space<vmem>>
      %dma_wait3A_522 = arith.constant 0 : i32
      %dma_wait3A_523 = tpu.memref_slice %arg5[%add3A_506, %dma_wait3A_522] : memref<200x128xi32, #tpu.memory_space<vmem>> -> memref<1x128xi32, #tpu.memory_space<vmem>>
      %dma_wait3A_524 = tpu.memref_squeeze %dma_wait3A_523 : memref<1x128xi32, #tpu.memory_space<vmem>> -> memref<128xi32, #tpu.memory_space<vmem>>
      %dma_wait3A_525 = arith.constant 0 : i32
      %dma_wait3A_526 = arith.constant 0 : i32
      %dma_wait3A_527 = tpu.memref_slice %arg2[%dma_wait3A_525, %dma_wait3A_526] : memref<1000001x64xf32, #tpu.memory_space<hbm>> -> memref<1000001x64xf32, #tpu.memory_space<hbm>>
      %dma_wait3A_528 = tpu.memref_slice %arg7[%dma_wait3A_517] : memref<8x!tpu.dma_semaphore, #tpu.memory_space<semaphore_mem>> -> memref<1x!tpu.dma_semaphore, #tpu.memory_space<semaphore_mem>>
      %dma_wait3A_529 = tpu.memref_squeeze %dma_wait3A_528 : memref<1x!tpu.dma_semaphore, #tpu.memory_space<semaphore_mem>> -> memref<!tpu.dma_semaphore, #tpu.memory_space<semaphore_mem>>
      tpu.wait_indirect_dma semaphore(%dma_wait3A_529 : memref<!tpu.dma_semaphore, #tpu.memory_space<semaphore_mem>>) src(%dma_wait3A_527 : memref<1000001x64xf32, #tpu.memory_space<hbm>>) dst(%dma_wait3A_521 : memref<128x64xf32, #tpu.memory_space<vmem>>)
      %mul3A_530 = arith.constant 128 : i32
      %mul3A_531 = arith.muli %add3A_506, %mul3A_530 : i32
      %add3A_532 = arith.addi %mul3A_4, %mul3A_531 : i32
      %dma_start3A_533 = arith.constant 6 : i32
      %dma_start3A_534 = arith.constant 6 : i32
      %dma_start3A_535 = arith.constant 0 : i32
      %dma_start3A_536 = arith.constant 0 : i32
      %dma_start3A_537 = tpu.memref_slice %arg6[%dma_start3A_533, %dma_start3A_535, %dma_start3A_536] : memref<8x128x64xf32, #tpu.memory_space<vmem>> -> memref<1x128x64xf32, #tpu.memory_space<vmem>>
      %dma_start3A_538 = tpu.memref_squeeze %dma_start3A_537 : memref<1x128x64xf32, #tpu.memory_space<vmem>> -> memref<128x64xf32, #tpu.memory_space<vmem>>
      %dma_start3A_539 = arith.constant 0 : i32
      %dma_start3A_540 = tpu.memref_slice %arg4[%add3A_532, %dma_start3A_539] : memref<819200x64xf32, #tpu.memory_space<hbm>> -> memref<128x64xf32, #tpu.memory_space<hbm>>
      %dma_start3A_541 = tpu.memref_slice %arg8[%dma_start3A_534] : memref<8x!tpu.dma_semaphore, #tpu.memory_space<semaphore_mem>> -> memref<1x!tpu.dma_semaphore, #tpu.memory_space<semaphore_mem>>
      %dma_start3A_542 = tpu.memref_squeeze %dma_start3A_541 : memref<1x!tpu.dma_semaphore, #tpu.memory_space<semaphore_mem>> -> memref<!tpu.dma_semaphore, #tpu.memory_space<semaphore_mem>>
      %dma_start3A_543 = arith.constant 0 : i32
      %dma_start3A_544 = tpu.memref_slice %arg4[%add3A_532, %dma_start3A_543] : memref<819200x64xf32, #tpu.memory_space<hbm>> -> memref<128x64xf32, #tpu.memory_space<hbm>>
      %dma_start3A_545 = arith.constant 0 : i32
      %dma_start3A_546 = arith.constant 0 : i32
      %dma_start3A_547 = tpu.memref_slice %arg6[%dma_start3A_533, %dma_start3A_545, %dma_start3A_546] : memref<8x128x64xf32, #tpu.memory_space<vmem>> -> memref<1x128x64xf32, #tpu.memory_space<vmem>>
      %dma_start3A_548 = tpu.memref_squeeze %dma_start3A_547 : memref<1x128x64xf32, #tpu.memory_space<vmem>> -> memref<128x64xf32, #tpu.memory_space<vmem>>
      tpu.enqueue_dma source(%dma_start3A_548 : memref<128x64xf32, #tpu.memory_space<vmem>>) target(%dma_start3A_544 : memref<128x64xf32, #tpu.memory_space<hbm>>) target_semaphore(%dma_start3A_542 : memref<!tpu.dma_semaphore, #tpu.memory_space<semaphore_mem>>)
      %add3A_549 = arith.constant 7 : i32
      %add3A_550 = arith.addi %add3A_244, %add3A_549 : i32
      %add3A_551 = arith.constant 8 : i32
      %add3A_552 = arith.addi %add3A_550, %add3A_551 : i32
      %sub3A_553 = arith.constant 1 : i32
      %sub3A_554 = arith.subi %add3A_552, %sub3A_553 : i32
      %lt3A_555 = arith.constant 200 : i32
      %lt3A_556 = arith.cmpi slt, %sub3A_554, %lt3A_555 : i32
      %convert_element_type3A_557 = arith.extui %lt3A_556 : i1 to i32
      %cond3A_558 = arith.constant 0 : i32
      %cond3A_559 = arith.cmpi ne, %convert_element_type3A_557, %cond3A_558 : i32
      scf.if %cond3A_559 {
        %ge3A = arith.constant 1 : i32
        %ge3A_593 = arith.cmpi sge, %add3A_550, %ge3A : i32
        %convert_element_type3A_594 = arith.extui %ge3A_593 : i1 to i32
        %cond3A_595 = arith.constant 0 : i32
        %cond3A_596 = arith.cmpi ne, %convert_element_type3A_594, %cond3A_595 : i32
        scf.if %cond3A_596 {
          %dma_wait3A_611 = arith.constant 6 : i32
          %dma_wait3A_612 = arith.constant 6 : i32
          %dma_wait3A_613 = arith.constant 0 : i32
          %dma_wait3A_614 = arith.constant 0 : i32
          %dma_wait3A_615 = tpu.memref_slice %arg6[%dma_wait3A_611, %dma_wait3A_613, %dma_wait3A_614] : memref<8x128x64xf32, #tpu.memory_space<vmem>> -> memref<1x128x64xf32, #tpu.memory_space<vmem>>
          %dma_wait3A_616 = tpu.memref_squeeze %dma_wait3A_615 : memref<1x128x64xf32, #tpu.memory_space<vmem>> -> memref<128x64xf32, #tpu.memory_space<vmem>>
          %dma_wait3A_617 = arith.constant 0 : i32
          %dma_wait3A_618 = tpu.memref_slice %arg4[%mul3A_4, %dma_wait3A_617] : memref<819200x64xf32, #tpu.memory_space<hbm>> -> memref<128x64xf32, #tpu.memory_space<hbm>>
          %dma_wait3A_619 = tpu.memref_slice %arg8[%dma_wait3A_612] : memref<8x!tpu.dma_semaphore, #tpu.memory_space<semaphore_mem>> -> memref<1x!tpu.dma_semaphore, #tpu.memory_space<semaphore_mem>>
          %dma_wait3A_620 = tpu.memref_squeeze %dma_wait3A_619 : memref<1x!tpu.dma_semaphore, #tpu.memory_space<semaphore_mem>> -> memref<!tpu.dma_semaphore, #tpu.memory_space<semaphore_mem>>
          %dma_wait3A_621 = arith.constant 0 : i32
          %dma_wait3A_622 = tpu.memref_slice %arg4[%mul3A_4, %dma_wait3A_621] : memref<819200x64xf32, #tpu.memory_space<hbm>> -> memref<128x64xf32, #tpu.memory_space<hbm>>
          %dma_wait3A_623 = arith.constant 0 : i32
          %dma_wait3A_624 = arith.constant 0 : i32
          %dma_wait3A_625 = tpu.memref_slice %arg6[%dma_wait3A_611, %dma_wait3A_623, %dma_wait3A_624] : memref<8x128x64xf32, #tpu.memory_space<vmem>> -> memref<1x128x64xf32, #tpu.memory_space<vmem>>
          %dma_wait3A_626 = tpu.memref_squeeze %dma_wait3A_625 : memref<1x128x64xf32, #tpu.memory_space<vmem>> -> memref<128x64xf32, #tpu.memory_space<vmem>>
          tpu.wait_dma2 semaphore(%dma_wait3A_620 : memref<!tpu.dma_semaphore, #tpu.memory_space<semaphore_mem>>) src(%dma_wait3A_626 : memref<128x64xf32, #tpu.memory_space<vmem>>) dst(%dma_wait3A_622 : memref<128x64xf32, #tpu.memory_space<hbm>>)
        } else {
        }
        %dma_start3A_597 = arith.constant 6 : i32
        %dma_start3A_598 = arith.constant 6 : i32
        %dma_start3A_599 = arith.constant 0 : i32
        %dma_start3A_600 = arith.constant 0 : i32
        %dma_start3A_601 = tpu.memref_slice %arg6[%dma_start3A_597, %dma_start3A_599, %dma_start3A_600] : memref<8x128x64xf32, #tpu.memory_space<vmem>> -> memref<1x128x64xf32, #tpu.memory_space<vmem>>
        %dma_start3A_602 = tpu.memref_squeeze %dma_start3A_601 : memref<1x128x64xf32, #tpu.memory_space<vmem>> -> memref<128x64xf32, #tpu.memory_space<vmem>>
        %dma_start3A_603 = arith.constant 0 : i32
        %dma_start3A_604 = tpu.memref_slice %arg5[%sub3A_554, %dma_start3A_603] : memref<200x128xi32, #tpu.memory_space<vmem>> -> memref<1x128xi32, #tpu.memory_space<vmem>>
        %dma_start3A_605 = tpu.memref_squeeze %dma_start3A_604 : memref<1x128xi32, #tpu.memory_space<vmem>> -> memref<128xi32, #tpu.memory_space<vmem>>
        %dma_start3A_606 = arith.constant 0 : i32
        %dma_start3A_607 = arith.constant 0 : i32
        %dma_start3A_608 = tpu.memref_slice %arg2[%dma_start3A_606, %dma_start3A_607] : memref<1000001x64xf32, #tpu.memory_space<hbm>> -> memref<1000001x64xf32, #tpu.memory_space<hbm>>
        %dma_start3A_609 = tpu.memref_slice %arg7[%dma_start3A_598] : memref<8x!tpu.dma_semaphore, #tpu.memory_space<semaphore_mem>> -> memref<1x!tpu.dma_semaphore, #tpu.memory_space<semaphore_mem>>
        %dma_start3A_610 = tpu.memref_squeeze %dma_start3A_609 : memref<1x!tpu.dma_semaphore, #tpu.memory_space<semaphore_mem>> -> memref<!tpu.dma_semaphore, #tpu.memory_space<semaphore_mem>>
        tpu.enqueue_indirect_dma source(%dma_start3A_608 : memref<1000001x64xf32, #tpu.memory_space<hbm>>) target(%dma_start3A_602 : memref<128x64xf32, #tpu.memory_space<vmem>>) offsets(%dma_start3A_605 : memref<128xi32, #tpu.memory_space<vmem>>) semaphore(%dma_start3A_610 : memref<!tpu.dma_semaphore, #tpu.memory_space<semaphore_mem>>)
      } else {
      }
      %dma_wait3A_560 = arith.constant 7 : i32
      %dma_wait3A_561 = arith.constant 7 : i32
      %dma_wait3A_562 = arith.constant 0 : i32
      %dma_wait3A_563 = arith.constant 0 : i32
      %dma_wait3A_564 = tpu.memref_slice %arg6[%dma_wait3A_560, %dma_wait3A_562, %dma_wait3A_563] : memref<8x128x64xf32, #tpu.memory_space<vmem>> -> memref<1x128x64xf32, #tpu.memory_space<vmem>>
      %dma_wait3A_565 = tpu.memref_squeeze %dma_wait3A_564 : memref<1x128x64xf32, #tpu.memory_space<vmem>> -> memref<128x64xf32, #tpu.memory_space<vmem>>
      %dma_wait3A_566 = arith.constant 0 : i32
      %dma_wait3A_567 = tpu.memref_slice %arg5[%add3A_550, %dma_wait3A_566] : memref<200x128xi32, #tpu.memory_space<vmem>> -> memref<1x128xi32, #tpu.memory_space<vmem>>
      %dma_wait3A_568 = tpu.memref_squeeze %dma_wait3A_567 : memref<1x128xi32, #tpu.memory_space<vmem>> -> memref<128xi32, #tpu.memory_space<vmem>>
      %dma_wait3A_569 = arith.constant 0 : i32
      %dma_wait3A_570 = arith.constant 0 : i32
      %dma_wait3A_571 = tpu.memref_slice %arg2[%dma_wait3A_569, %dma_wait3A_570] : memref<1000001x64xf32, #tpu.memory_space<hbm>> -> memref<1000001x64xf32, #tpu.memory_space<hbm>>
      %dma_wait3A_572 = tpu.memref_slice %arg7[%dma_wait3A_561] : memref<8x!tpu.dma_semaphore, #tpu.memory_space<semaphore_mem>> -> memref<1x!tpu.dma_semaphore, #tpu.memory_space<semaphore_mem>>
      %dma_wait3A_573 = tpu.memref_squeeze %dma_wait3A_572 : memref<1x!tpu.dma_semaphore, #tpu.memory_space<semaphore_mem>> -> memref<!tpu.dma_semaphore, #tpu.memory_space<semaphore_mem>>
      tpu.wait_indirect_dma semaphore(%dma_wait3A_573 : memref<!tpu.dma_semaphore, #tpu.memory_space<semaphore_mem>>) src(%dma_wait3A_571 : memref<1000001x64xf32, #tpu.memory_space<hbm>>) dst(%dma_wait3A_565 : memref<128x64xf32, #tpu.memory_space<vmem>>)
      %mul3A_574 = arith.constant 128 : i32
      %mul3A_575 = arith.muli %add3A_550, %mul3A_574 : i32
      %add3A_576 = arith.addi %mul3A_4, %mul3A_575 : i32
      %dma_start3A_577 = arith.constant 7 : i32
      %dma_start3A_578 = arith.constant 7 : i32
      %dma_start3A_579 = arith.constant 0 : i32
      %dma_start3A_580 = arith.constant 0 : i32
      %dma_start3A_581 = tpu.memref_slice %arg6[%dma_start3A_577, %dma_start3A_579, %dma_start3A_580] : memref<8x128x64xf32, #tpu.memory_space<vmem>> -> memref<1x128x64xf32, #tpu.memory_space<vmem>>
      %dma_start3A_582 = tpu.memref_squeeze %dma_start3A_581 : memref<1x128x64xf32, #tpu.memory_space<vmem>> -> memref<128x64xf32, #tpu.memory_space<vmem>>
      %dma_start3A_583 = arith.constant 0 : i32
      %dma_start3A_584 = tpu.memref_slice %arg4[%add3A_576, %dma_start3A_583] : memref<819200x64xf32, #tpu.memory_space<hbm>> -> memref<128x64xf32, #tpu.memory_space<hbm>>
      %dma_start3A_585 = tpu.memref_slice %arg8[%dma_start3A_578] : memref<8x!tpu.dma_semaphore, #tpu.memory_space<semaphore_mem>> -> memref<1x!tpu.dma_semaphore, #tpu.memory_space<semaphore_mem>>
      %dma_start3A_586 = tpu.memref_squeeze %dma_start3A_585 : memref<1x!tpu.dma_semaphore, #tpu.memory_space<semaphore_mem>> -> memref<!tpu.dma_semaphore, #tpu.memory_space<semaphore_mem>>
      %dma_start3A_587 = arith.constant 0 : i32
      %dma_start3A_588 = tpu.memref_slice %arg4[%add3A_576, %dma_start3A_587] : memref<819200x64xf32, #tpu.memory_space<hbm>> -> memref<128x64xf32, #tpu.memory_space<hbm>>
      %dma_start3A_589 = arith.constant 0 : i32
      %dma_start3A_590 = arith.constant 0 : i32
      %dma_start3A_591 = tpu.memref_slice %arg6[%dma_start3A_577, %dma_start3A_589, %dma_start3A_590] : memref<8x128x64xf32, #tpu.memory_space<vmem>> -> memref<1x128x64xf32, #tpu.memory_space<vmem>>
      %dma_start3A_592 = tpu.memref_squeeze %dma_start3A_591 : memref<1x128x64xf32, #tpu.memory_space<vmem>> -> memref<128x64xf32, #tpu.memory_space<vmem>>
      tpu.enqueue_dma source(%dma_start3A_592 : memref<128x64xf32, #tpu.memory_space<vmem>>) target(%dma_start3A_588 : memref<128x64xf32, #tpu.memory_space<hbm>>) target_semaphore(%dma_start3A_586 : memref<!tpu.dma_semaphore, #tpu.memory_space<semaphore_mem>>)
    }
    %scan3A_112 = arith.constant 25 : i32
    %dma_wait3A = arith.constant 0 : i32
    %dma_wait3A_113 = arith.constant 0 : i32
    %dma_wait3A_114 = arith.constant 0 : i32
    %dma_wait3A_115 = arith.constant 0 : i32
    %dma_wait3A_116 = tpu.memref_slice %arg6[%dma_wait3A, %dma_wait3A_114, %dma_wait3A_115] : memref<8x128x64xf32, #tpu.memory_space<vmem>> -> memref<1x128x64xf32, #tpu.memory_space<vmem>>
    %dma_wait3A_117 = tpu.memref_squeeze %dma_wait3A_116 : memref<1x128x64xf32, #tpu.memory_space<vmem>> -> memref<128x64xf32, #tpu.memory_space<vmem>>
    %dma_wait3A_118 = arith.constant 0 : i32
    %dma_wait3A_119 = tpu.memref_slice %arg4[%mul3A_4, %dma_wait3A_118] : memref<819200x64xf32, #tpu.memory_space<hbm>> -> memref<128x64xf32, #tpu.memory_space<hbm>>
    %dma_wait3A_120 = tpu.memref_slice %arg8[%dma_wait3A_113] : memref<8x!tpu.dma_semaphore, #tpu.memory_space<semaphore_mem>> -> memref<1x!tpu.dma_semaphore, #tpu.memory_space<semaphore_mem>>
    %dma_wait3A_121 = tpu.memref_squeeze %dma_wait3A_120 : memref<1x!tpu.dma_semaphore, #tpu.memory_space<semaphore_mem>> -> memref<!tpu.dma_semaphore, #tpu.memory_space<semaphore_mem>>
    %dma_wait3A_122 = arith.constant 0 : i32
    %dma_wait3A_123 = tpu.memref_slice %arg4[%mul3A_4, %dma_wait3A_122] : memref<819200x64xf32, #tpu.memory_space<hbm>> -> memref<128x64xf32, #tpu.memory_space<hbm>>
    %dma_wait3A_124 = arith.constant 0 : i32
    %dma_wait3A_125 = arith.constant 0 : i32
    %dma_wait3A_126 = tpu.memref_slice %arg6[%dma_wait3A, %dma_wait3A_124, %dma_wait3A_125] : memref<8x128x64xf32, #tpu.memory_space<vmem>> -> memref<1x128x64xf32, #tpu.memory_space<vmem>>
    %dma_wait3A_127 = tpu.memref_squeeze %dma_wait3A_126 : memref<1x128x64xf32, #tpu.memory_space<vmem>> -> memref<128x64xf32, #tpu.memory_space<vmem>>
    tpu.wait_dma2 semaphore(%dma_wait3A_121 : memref<!tpu.dma_semaphore, #tpu.memory_space<semaphore_mem>>) src(%dma_wait3A_127 : memref<128x64xf32, #tpu.memory_space<vmem>>) dst(%dma_wait3A_123 : memref<128x64xf32, #tpu.memory_space<hbm>>)
    %dma_wait3A_128 = arith.constant 1 : i32
    %dma_wait3A_129 = arith.constant 1 : i32
    %dma_wait3A_130 = arith.constant 0 : i32
    %dma_wait3A_131 = arith.constant 0 : i32
    %dma_wait3A_132 = tpu.memref_slice %arg6[%dma_wait3A_128, %dma_wait3A_130, %dma_wait3A_131] : memref<8x128x64xf32, #tpu.memory_space<vmem>> -> memref<1x128x64xf32, #tpu.memory_space<vmem>>
    %dma_wait3A_133 = tpu.memref_squeeze %dma_wait3A_132 : memref<1x128x64xf32, #tpu.memory_space<vmem>> -> memref<128x64xf32, #tpu.memory_space<vmem>>
    %dma_wait3A_134 = arith.constant 0 : i32
    %dma_wait3A_135 = tpu.memref_slice %arg4[%mul3A_4, %dma_wait3A_134] : memref<819200x64xf32, #tpu.memory_space<hbm>> -> memref<128x64xf32, #tpu.memory_space<hbm>>
    %dma_wait3A_136 = tpu.memref_slice %arg8[%dma_wait3A_129] : memref<8x!tpu.dma_semaphore, #tpu.memory_space<semaphore_mem>> -> memref<1x!tpu.dma_semaphore, #tpu.memory_space<semaphore_mem>>
    %dma_wait3A_137 = tpu.memref_squeeze %dma_wait3A_136 : memref<1x!tpu.dma_semaphore, #tpu.memory_space<semaphore_mem>> -> memref<!tpu.dma_semaphore, #tpu.memory_space<semaphore_mem>>
    %dma_wait3A_138 = arith.constant 0 : i32
    %dma_wait3A_139 = tpu.memref_slice %arg4[%mul3A_4, %dma_wait3A_138] : memref<819200x64xf32, #tpu.memory_space<hbm>> -> memref<128x64xf32, #tpu.memory_space<hbm>>
    %dma_wait3A_140 = arith.constant 0 : i32
    %dma_wait3A_141 = arith.constant 0 : i32
    %dma_wait3A_142 = tpu.memref_slice %arg6[%dma_wait3A_128, %dma_wait3A_140, %dma_wait3A_141] : memref<8x128x64xf32, #tpu.memory_space<vmem>> -> memref<1x128x64xf32, #tpu.memory_space<vmem>>
    %dma_wait3A_143 = tpu.memref_squeeze %dma_wait3A_142 : memref<1x128x64xf32, #tpu.memory_space<vmem>> -> memref<128x64xf32, #tpu.memory_space<vmem>>
    tpu.wait_dma2 semaphore(%dma_wait3A_137 : memref<!tpu.dma_semaphore, #tpu.memory_space<semaphore_mem>>) src(%dma_wait3A_143 : memref<128x64xf32, #tpu.memory_space<vmem>>) dst(%dma_wait3A_139 : memref<128x64xf32, #tpu.memory_space<hbm>>)
    %dma_wait3A_144 = arith.constant 2 : i32
    %dma_wait3A_145 = arith.constant 2 : i32
    %dma_wait3A_146 = arith.constant 0 : i32
    %dma_wait3A_147 = arith.constant 0 : i32
    %dma_wait3A_148 = tpu.memref_slice %arg6[%dma_wait3A_144, %dma_wait3A_146, %dma_wait3A_147] : memref<8x128x64xf32, #tpu.memory_space<vmem>> -> memref<1x128x64xf32, #tpu.memory_space<vmem>>
    %dma_wait3A_149 = tpu.memref_squeeze %dma_wait3A_148 : memref<1x128x64xf32, #tpu.memory_space<vmem>> -> memref<128x64xf32, #tpu.memory_space<vmem>>
    %dma_wait3A_150 = arith.constant 0 : i32
    %dma_wait3A_151 = tpu.memref_slice %arg4[%mul3A_4, %dma_wait3A_150] : memref<819200x64xf32, #tpu.memory_space<hbm>> -> memref<128x64xf32, #tpu.memory_space<hbm>>
    %dma_wait3A_152 = tpu.memref_slice %arg8[%dma_wait3A_145] : memref<8x!tpu.dma_semaphore, #tpu.memory_space<semaphore_mem>> -> memref<1x!tpu.dma_semaphore, #tpu.memory_space<semaphore_mem>>
    %dma_wait3A_153 = tpu.memref_squeeze %dma_wait3A_152 : memref<1x!tpu.dma_semaphore, #tpu.memory_space<semaphore_mem>> -> memref<!tpu.dma_semaphore, #tpu.memory_space<semaphore_mem>>
    %dma_wait3A_154 = arith.constant 0 : i32
    %dma_wait3A_155 = tpu.memref_slice %arg4[%mul3A_4, %dma_wait3A_154] : memref<819200x64xf32, #tpu.memory_space<hbm>> -> memref<128x64xf32, #tpu.memory_space<hbm>>
    %dma_wait3A_156 = arith.constant 0 : i32
    %dma_wait3A_157 = arith.constant 0 : i32
    %dma_wait3A_158 = tpu.memref_slice %arg6[%dma_wait3A_144, %dma_wait3A_156, %dma_wait3A_157] : memref<8x128x64xf32, #tpu.memory_space<vmem>> -> memref<1x128x64xf32, #tpu.memory_space<vmem>>
    %dma_wait3A_159 = tpu.memref_squeeze %dma_wait3A_158 : memref<1x128x64xf32, #tpu.memory_space<vmem>> -> memref<128x64xf32, #tpu.memory_space<vmem>>
    tpu.wait_dma2 semaphore(%dma_wait3A_153 : memref<!tpu.dma_semaphore, #tpu.memory_space<semaphore_mem>>) src(%dma_wait3A_159 : memref<128x64xf32, #tpu.memory_space<vmem>>) dst(%dma_wait3A_155 : memref<128x64xf32, #tpu.memory_space<hbm>>)
    %dma_wait3A_160 = arith.constant 3 : i32
    %dma_wait3A_161 = arith.constant 3 : i32
    %dma_wait3A_162 = arith.constant 0 : i32
    %dma_wait3A_163 = arith.constant 0 : i32
    %dma_wait3A_164 = tpu.memref_slice %arg6[%dma_wait3A_160, %dma_wait3A_162, %dma_wait3A_163] : memref<8x128x64xf32, #tpu.memory_space<vmem>> -> memref<1x128x64xf32, #tpu.memory_space<vmem>>
    %dma_wait3A_165 = tpu.memref_squeeze %dma_wait3A_164 : memref<1x128x64xf32, #tpu.memory_space<vmem>> -> memref<128x64xf32, #tpu.memory_space<vmem>>
    %dma_wait3A_166 = arith.constant 0 : i32
    %dma_wait3A_167 = tpu.memref_slice %arg4[%mul3A_4, %dma_wait3A_166] : memref<819200x64xf32, #tpu.memory_space<hbm>> -> memref<128x64xf32, #tpu.memory_space<hbm>>
    %dma_wait3A_168 = tpu.memref_slice %arg8[%dma_wait3A_161] : memref<8x!tpu.dma_semaphore, #tpu.memory_space<semaphore_mem>> -> memref<1x!tpu.dma_semaphore, #tpu.memory_space<semaphore_mem>>
    %dma_wait3A_169 = tpu.memref_squeeze %dma_wait3A_168 : memref<1x!tpu.dma_semaphore, #tpu.memory_space<semaphore_mem>> -> memref<!tpu.dma_semaphore, #tpu.memory_space<semaphore_mem>>
    %dma_wait3A_170 = arith.constant 0 : i32
    %dma_wait3A_171 = tpu.memref_slice %arg4[%mul3A_4, %dma_wait3A_170] : memref<819200x64xf32, #tpu.memory_space<hbm>> -> memref<128x64xf32, #tpu.memory_space<hbm>>
    %dma_wait3A_172 = arith.constant 0 : i32
    %dma_wait3A_173 = arith.constant 0 : i32
    %dma_wait3A_174 = tpu.memref_slice %arg6[%dma_wait3A_160, %dma_wait3A_172, %dma_wait3A_173] : memref<8x128x64xf32, #tpu.memory_space<vmem>> -> memref<1x128x64xf32, #tpu.memory_space<vmem>>
    %dma_wait3A_175 = tpu.memref_squeeze %dma_wait3A_174 : memref<1x128x64xf32, #tpu.memory_space<vmem>> -> memref<128x64xf32, #tpu.memory_space<vmem>>
    tpu.wait_dma2 semaphore(%dma_wait3A_169 : memref<!tpu.dma_semaphore, #tpu.memory_space<semaphore_mem>>) src(%dma_wait3A_175 : memref<128x64xf32, #tpu.memory_space<vmem>>) dst(%dma_wait3A_171 : memref<128x64xf32, #tpu.memory_space<hbm>>)
    %dma_wait3A_176 = arith.constant 4 : i32
    %dma_wait3A_177 = arith.constant 4 : i32
    %dma_wait3A_178 = arith.constant 0 : i32
    %dma_wait3A_179 = arith.constant 0 : i32
    %dma_wait3A_180 = tpu.memref_slice %arg6[%dma_wait3A_176, %dma_wait3A_178, %dma_wait3A_179] : memref<8x128x64xf32, #tpu.memory_space<vmem>> -> memref<1x128x64xf32, #tpu.memory_space<vmem>>
    %dma_wait3A_181 = tpu.memref_squeeze %dma_wait3A_180 : memref<1x128x64xf32, #tpu.memory_space<vmem>> -> memref<128x64xf32, #tpu.memory_space<vmem>>
    %dma_wait3A_182 = arith.constant 0 : i32
    %dma_wait3A_183 = tpu.memref_slice %arg4[%mul3A_4, %dma_wait3A_182] : memref<819200x64xf32, #tpu.memory_space<hbm>> -> memref<128x64xf32, #tpu.memory_space<hbm>>
    %dma_wait3A_184 = tpu.memref_slice %arg8[%dma_wait3A_177] : memref<8x!tpu.dma_semaphore, #tpu.memory_space<semaphore_mem>> -> memref<1x!tpu.dma_semaphore, #tpu.memory_space<semaphore_mem>>
    %dma_wait3A_185 = tpu.memref_squeeze %dma_wait3A_184 : memref<1x!tpu.dma_semaphore, #tpu.memory_space<semaphore_mem>> -> memref<!tpu.dma_semaphore, #tpu.memory_space<semaphore_mem>>
    %dma_wait3A_186 = arith.constant 0 : i32
    %dma_wait3A_187 = tpu.memref_slice %arg4[%mul3A_4, %dma_wait3A_186] : memref<819200x64xf32, #tpu.memory_space<hbm>> -> memref<128x64xf32, #tpu.memory_space<hbm>>
    %dma_wait3A_188 = arith.constant 0 : i32
    %dma_wait3A_189 = arith.constant 0 : i32
    %dma_wait3A_190 = tpu.memref_slice %arg6[%dma_wait3A_176, %dma_wait3A_188, %dma_wait3A_189] : memref<8x128x64xf32, #tpu.memory_space<vmem>> -> memref<1x128x64xf32, #tpu.memory_space<vmem>>
    %dma_wait3A_191 = tpu.memref_squeeze %dma_wait3A_190 : memref<1x128x64xf32, #tpu.memory_space<vmem>> -> memref<128x64xf32, #tpu.memory_space<vmem>>
    tpu.wait_dma2 semaphore(%dma_wait3A_185 : memref<!tpu.dma_semaphore, #tpu.memory_space<semaphore_mem>>) src(%dma_wait3A_191 : memref<128x64xf32, #tpu.memory_space<vmem>>) dst(%dma_wait3A_187 : memref<128x64xf32, #tpu.memory_space<hbm>>)
    %dma_wait3A_192 = arith.constant 5 : i32
    %dma_wait3A_193 = arith.constant 5 : i32
    %dma_wait3A_194 = arith.constant 0 : i32
    %dma_wait3A_195 = arith.constant 0 : i32
    %dma_wait3A_196 = tpu.memref_slice %arg6[%dma_wait3A_192, %dma_wait3A_194, %dma_wait3A_195] : memref<8x128x64xf32, #tpu.memory_space<vmem>> -> memref<1x128x64xf32, #tpu.memory_space<vmem>>
    %dma_wait3A_197 = tpu.memref_squeeze %dma_wait3A_196 : memref<1x128x64xf32, #tpu.memory_space<vmem>> -> memref<128x64xf32, #tpu.memory_space<vmem>>
    %dma_wait3A_198 = arith.constant 0 : i32
    %dma_wait3A_199 = tpu.memref_slice %arg4[%mul3A_4, %dma_wait3A_198] : memref<819200x64xf32, #tpu.memory_space<hbm>> -> memref<128x64xf32, #tpu.memory_space<hbm>>
    %dma_wait3A_200 = tpu.memref_slice %arg8[%dma_wait3A_193] : memref<8x!tpu.dma_semaphore, #tpu.memory_space<semaphore_mem>> -> memref<1x!tpu.dma_semaphore, #tpu.memory_space<semaphore_mem>>
    %dma_wait3A_201 = tpu.memref_squeeze %dma_wait3A_200 : memref<1x!tpu.dma_semaphore, #tpu.memory_space<semaphore_mem>> -> memref<!tpu.dma_semaphore, #tpu.memory_space<semaphore_mem>>
    %dma_wait3A_202 = arith.constant 0 : i32
    %dma_wait3A_203 = tpu.memref_slice %arg4[%mul3A_4, %dma_wait3A_202] : memref<819200x64xf32, #tpu.memory_space<hbm>> -> memref<128x64xf32, #tpu.memory_space<hbm>>
    %dma_wait3A_204 = arith.constant 0 : i32
    %dma_wait3A_205 = arith.constant 0 : i32
    %dma_wait3A_206 = tpu.memref_slice %arg6[%dma_wait3A_192, %dma_wait3A_204, %dma_wait3A_205] : memref<8x128x64xf32, #tpu.memory_space<vmem>> -> memref<1x128x64xf32, #tpu.memory_space<vmem>>
    %dma_wait3A_207 = tpu.memref_squeeze %dma_wait3A_206 : memref<1x128x64xf32, #tpu.memory_space<vmem>> -> memref<128x64xf32, #tpu.memory_space<vmem>>
    tpu.wait_dma2 semaphore(%dma_wait3A_201 : memref<!tpu.dma_semaphore, #tpu.memory_space<semaphore_mem>>) src(%dma_wait3A_207 : memref<128x64xf32, #tpu.memory_space<vmem>>) dst(%dma_wait3A_203 : memref<128x64xf32, #tpu.memory_space<hbm>>)
    %dma_wait3A_208 = arith.constant 6 : i32
    %dma_wait3A_209 = arith.constant 6 : i32
    %dma_wait3A_210 = arith.constant 0 : i32
    %dma_wait3A_211 = arith.constant 0 : i32
    %dma_wait3A_212 = tpu.memref_slice %arg6[%dma_wait3A_208, %dma_wait3A_210, %dma_wait3A_211] : memref<8x128x64xf32, #tpu.memory_space<vmem>> -> memref<1x128x64xf32, #tpu.memory_space<vmem>>
    %dma_wait3A_213 = tpu.memref_squeeze %dma_wait3A_212 : memref<1x128x64xf32, #tpu.memory_space<vmem>> -> memref<128x64xf32, #tpu.memory_space<vmem>>
    %dma_wait3A_214 = arith.constant 0 : i32
    %dma_wait3A_215 = tpu.memref_slice %arg4[%mul3A_4, %dma_wait3A_214] : memref<819200x64xf32, #tpu.memory_space<hbm>> -> memref<128x64xf32, #tpu.memory_space<hbm>>
    %dma_wait3A_216 = tpu.memref_slice %arg8[%dma_wait3A_209] : memref<8x!tpu.dma_semaphore, #tpu.memory_space<semaphore_mem>> -> memref<1x!tpu.dma_semaphore, #tpu.memory_space<semaphore_mem>>
    %dma_wait3A_217 = tpu.memref_squeeze %dma_wait3A_216 : memref<1x!tpu.dma_semaphore, #tpu.memory_space<semaphore_mem>> -> memref<!tpu.dma_semaphore, #tpu.memory_space<semaphore_mem>>
    %dma_wait3A_218 = arith.constant 0 : i32
    %dma_wait3A_219 = tpu.memref_slice %arg4[%mul3A_4, %dma_wait3A_218] : memref<819200x64xf32, #tpu.memory_space<hbm>> -> memref<128x64xf32, #tpu.memory_space<hbm>>
    %dma_wait3A_220 = arith.constant 0 : i32
    %dma_wait3A_221 = arith.constant 0 : i32
    %dma_wait3A_222 = tpu.memref_slice %arg6[%dma_wait3A_208, %dma_wait3A_220, %dma_wait3A_221] : memref<8x128x64xf32, #tpu.memory_space<vmem>> -> memref<1x128x64xf32, #tpu.memory_space<vmem>>
    %dma_wait3A_223 = tpu.memref_squeeze %dma_wait3A_222 : memref<1x128x64xf32, #tpu.memory_space<vmem>> -> memref<128x64xf32, #tpu.memory_space<vmem>>
    tpu.wait_dma2 semaphore(%dma_wait3A_217 : memref<!tpu.dma_semaphore, #tpu.memory_space<semaphore_mem>>) src(%dma_wait3A_223 : memref<128x64xf32, #tpu.memory_space<vmem>>) dst(%dma_wait3A_219 : memref<128x64xf32, #tpu.memory_space<hbm>>)
    %dma_wait3A_224 = arith.constant 7 : i32
    %dma_wait3A_225 = arith.constant 7 : i32
    %dma_wait3A_226 = arith.constant 0 : i32
    %dma_wait3A_227 = arith.constant 0 : i32
    %dma_wait3A_228 = tpu.memref_slice %arg6[%dma_wait3A_224, %dma_wait3A_226, %dma_wait3A_227] : memref<8x128x64xf32, #tpu.memory_space<vmem>> -> memref<1x128x64xf32, #tpu.memory_space<vmem>>
    %dma_wait3A_229 = tpu.memref_squeeze %dma_wait3A_228 : memref<1x128x64xf32, #tpu.memory_space<vmem>> -> memref<128x64xf32, #tpu.memory_space<vmem>>
    %dma_wait3A_230 = arith.constant 0 : i32
    %dma_wait3A_231 = tpu.memref_slice %arg4[%mul3A_4, %dma_wait3A_230] : memref<819200x64xf32, #tpu.memory_space<hbm>> -> memref<128x64xf32, #tpu.memory_space<hbm>>
    %dma_wait3A_232 = tpu.memref_slice %arg8[%dma_wait3A_225] : memref<8x!tpu.dma_semaphore, #tpu.memory_space<semaphore_mem>> -> memref<1x!tpu.dma_semaphore, #tpu.memory_space<semaphore_mem>>
    %dma_wait3A_233 = tpu.memref_squeeze %dma_wait3A_232 : memref<1x!tpu.dma_semaphore, #tpu.memory_space<semaphore_mem>> -> memref<!tpu.dma_semaphore, #tpu.memory_space<semaphore_mem>>
    %dma_wait3A_234 = arith.constant 0 : i32
    %dma_wait3A_235 = tpu.memref_slice %arg4[%mul3A_4, %dma_wait3A_234] : memref<819200x64xf32, #tpu.memory_space<hbm>> -> memref<128x64xf32, #tpu.memory_space<hbm>>
    %dma_wait3A_236 = arith.constant 0 : i32
    %dma_wait3A_237 = arith.constant 0 : i32
    %dma_wait3A_238 = tpu.memref_slice %arg6[%dma_wait3A_224, %dma_wait3A_236, %dma_wait3A_237] : memref<8x128x64xf32, #tpu.memory_space<vmem>> -> memref<1x128x64xf32, #tpu.memory_space<vmem>>
    %dma_wait3A_239 = tpu.memref_squeeze %dma_wait3A_238 : memref<1x128x64xf32, #tpu.memory_space<vmem>> -> memref<128x64xf32, #tpu.memory_space<vmem>>
    tpu.wait_dma2 semaphore(%dma_wait3A_233 : memref<!tpu.dma_semaphore, #tpu.memory_space<semaphore_mem>>) src(%dma_wait3A_239 : memref<128x64xf32, #tpu.memory_space<vmem>>) dst(%dma_wait3A_235 : memref<128x64xf32, #tpu.memory_space<hbm>>)
    return
  }
}

</mosaic_0001>

<sc_bundles>
// kernel: kernel.3.cloned.1.call-start
scs
__scs_entry_jumppad:
0x0: {  	(pc) =	sbr.rel $0x88, $3  }
0x1: {  	(tag) =	ssettag $0x0;
	lr =	simm.s32 $0x1  }
0x2: {  	[smem:$0x3F9F] =	sst lr;
	_ =	strace $0xD0000000  }
0x3: {  	_ = 	snop  }
0x4: {  	_ = 	snop  }
0x5: {  	_ = 	snop  }
0x6: {  	_ = 	snop  }
0x7: {  	_ = 	snop  }
__scs_overlays_trampoline_lowered:
0x8: {  	[smem:$0x3FAE] =	sst s0  }
0x9: {  	[smem:$0x3FAF] =	sst s1  }
0xa: {  	[smem:$0x3FB0] =	sst s2  }
0xb: {  	[smem:$0x3FB1] =	sst s3  }
0xc: {  	[smem:$0x3FB2] =	sst s4  }
0xd: {  	[smem:$0x3FB3] =	sst s5  }
0xe: {  	[smem:$0x3FB4] =	sst s6  }
0xf: {  	[smem:$0x3FB5] =	sst s7  }
0x10: {  	[smem:$0x3FB6] =	sst s8  }
0x11: {  	[smem:$0x3FB7] =	sst s9;
	s0 =	simm.s32 @!p0 $0x0  }
0x12: {  	s1 =	sld [smem:$0x3F9D];
	s0 =	simm.s32 @p0 $0x1  }
0x13: {  	[smem:$0x3FB8] =	sst s0;
	s0 =	simm.s32 @!p1 $0x0  }
0x14: {  	s2 =	sld [smem:$0x3F9C];
	s0 =	simm.s32 @p1 $0x1  }
0x15: {  	[smem:$0x3FB9] =	sst s0;
	s0 =	simm.s32 @!p2 $0x0  }
0x16: {  	s3 =	sld [smem:$0x3FDB];
	s0 =	simm.s32 @p2 $0x1  }
0x17: {  	s4 =	simm.s32 $0x1BF5;
	[smem:$0x3FBB] =	sst s0  }
0x18: {  	s0 =	sld [smem:$0x3F9E];
	_ =	swait.ge [sflag:s4], $0x0  }
0x19: {  	s7 =	sld [smem:$0x3F9F]  }
0x1a: {  	s8 =	sadd.s32 $0xFFFFE003, lr  }
0x1b: {  	s9 =	sadd.s32 $0xFFFFFEF7, lr;
	s5 =	simm.s32 $0xFFFFFFFF;
	p2 =	slt.u32 s8, $0xFFFFF086  }
0x1c: {  	p1 =	slt.u32 s9, $0xF7A;
	s5 =	simm.s32 @!p2 $0x0  }
0x1d: {  	s5 =	simm.s32 @p1 $0x1;
	p0 =	seq.s32 s7, s2  }
0x1e: {  	s7 =	smul.u32 @!p0 $0xF7A, s2;
	p2 =	seq.s32 @!p0 s5, $0x0  }
0x1f: {  	s9 =	smul.u32 $0xF7A, s1;
	s8 =	simm.s32 @!p0 $0x1BF5;
	p2 =	por !p2, p0  }
0x20: {  	[sflag:s8] =	ssyncset.s32 @!p0 $0xFFFFF086;
	s6 =	sadd.s32 @!p0 s3, s7;
	s7 =	simm.s32 @!p0 $0x108  }
0x21: {  	s3 =	sadd.s32 s3, s9;
	s6 =	sadd.s32 @!p0 $0x88, s6;
	s7 =	simm.s32 @p2 $0x1082  }
0x22: {  	[simem:s7], [sflag:s8] =	dma.local @!p0 [hbm:s6], $0xF7A  }
0x23: {  	s9 =	sor.u32 $0xD0000000, s2;
	s6 =	simm.s32 $0x108;
	_ =	swait.ge @!p0 [sflag:s8], $0x0  }
0x24: {  	s3 =	sadd.s32 $0x88, s3;
	s6 =	simm.s32 @!p1 $0x1082;
	[sflag:s4] =	ssyncset.s32 $0xFFFFF086  }
0x25: {  	[simem:s6], [sflag:s4] =	dma.local [hbm:s3], $0xF7A  }
0x26: {  	[smem:$0x3F9F] =	sst s1;
	(tag) =	ssettag s2;
	_ =	strace s9  }
0x27: {  	s1 =	sld [smem:$0x3FAF]  }
0x28: {  	s2 =	sld [smem:$0x3FB0]  }
0x29: {  	s4 =	sld [smem:$0x3FB2]  }
0x2a: {  	p0 =	seq.s32 s5, $0x0;
	s5 =	sld [smem:$0x3FB3]  }
0x2b: {  	s6 =	sld [smem:$0x3FB4]  }
0x2c: {  	s7 =	sld [smem:$0x3FB5]  }
0x2d: {  	s3 =	simm.s32 $0x108;
	s8 =	sld [smem:$0x3FB6]  }
0x2e: {  	s3 =	simm.s32 @!p0 $0x1082;
	s9 =	sld [smem:$0x3FB7]  }
0x2f: {  	lr =	sadd.s32 s0, s3;
	s0 =	sld [smem:$0x3FAE]  }
0x30: {  	s3 =	sld [smem:$0x3FB1]  }
0x31: {  	[smem:$0x3FBA] =	sst s10  }
0x32: {  	s10 =	sld [smem:$0x3FB8];
	_ =	sdelay $0x3  }
0x33: {  	p0 =	seq.s32 s10, $0x1;
	s10 =	sld [smem:$0x3FBA];
	_ =	sdelay $0x3  }
0x34: {  	[smem:$0x3FBA] =	sst s10  }
0x35: {  	s10 =	sld [smem:$0x3FB9];
	_ =	sdelay $0x3  }
0x36: {  	p1 =	seq.s32 s10, $0x1;
	s10 =	sld [smem:$0x3FBA];
	_ =	sdelay $0x3  }
0x37: {  	[smem:$0x3FBA] =	sst s10  }
0x38: {  	s10 =	sld [smem:$0x3FBB]  }
0x39: {  	_ = 	snop;
	(pc) =	sbr.ind lr, $3  }
0x3a: {  	_ = 	snop  }
0x3b: {  	_ = 	snop  }
0x3c: {  	p2 =	seq.s32 s10, $0x1;
	s10 =	sld [smem:$0x3FBA]  }
0x3d: {  	_ =	shalt  }
0x3e: {  	_ =	shalt  }
0x3f: {  	_ =	shalt  }
0x40: {  	_ =	shalt  }
0x41: {  	_ =	shalt  }
0x42: {  	_ =	shalt  }
0x43: {  	_ =	shalt  }
0x44: {  	_ =	shalt  }
0x45: {  	_ =	shalt  }
0x46: {  	_ =	shalt  }
0x47: {  	_ =	shalt  }
0x48: {  	_ =	shalt  }
0x49: {  	_ =	shalt  }
0x4a: {  	_ =	shalt  }
0x4b: {  	_ =	shalt  }
0x4c: {  	_ =	shalt  }
0x4d: {  	_ =	shalt  }
0x4e: {  	_ =	shalt  }
0x4f: {  	_ =	shalt  }
0x50: {  	_ =	shalt  }
0x51: {  	_ =	shalt  }
0x52: {  	_ =	shalt  }
0x53: {  	_ =	shalt  }
0x54: {  	_ =	shalt  }
0x55: {  	_ =	shalt  }
0x56: {  	_ =	shalt  }
0x57: {  	_ =	shalt  }
0x58: {  	_ =	shalt  }
0x59: {  	_ =	shalt  }
0x5a: {  	_ =	shalt  }
0x5b: {  	_ =	shalt  }
0x5c: {  	_ =	shalt  }
0x5d: {  	_ =	shalt  }
0x5e: {  	_ =	shalt  }
0x5f: {  	_ =	shalt  }
0x60: {  	_ =	shalt  }
0x61: {  	_ =	shalt  }
0x62: {  	_ =	shalt  }
0x63: {  	_ =	shalt  }
0x64: {  	_ =	shalt  }
0x65: {  	_ =	shalt  }
0x66: {  	_ =	shalt  }
0x67: {  	_ =	shalt  }
0x68: {  	_ =	shalt  }
0x69: {  	_ =	shalt  }
0x6a: {  	_ =	shalt  }
0x6b: {  	_ =	shalt  }
0x6c: {  	_ =	shalt  }
0x6d: {  	_ =	shalt  }
0x6e: {  	_ =	shalt  }
0x6f: {  	_ =	shalt  }
0x70: {  	_ =	shalt  }
0x71: {  	_ =	shalt  }
0x72: {  	_ =	shalt  }
0x73: {  	_ =	shalt  }
0x74: {  	_ =	shalt  }
0x75: {  	_ =	shalt  }
0x76: {  	_ =	shalt  }
0x77: {  	_ =	shalt  }
0x78: {  	_ =	shalt  }
0x79: {  	_ =	shalt  }
0x7a: {  	_ =	shalt  }
0x7b: {  	_ =	shalt  }
0x7c: {  	_ =	shalt  }
0x7d: {  	_ =	shalt  }
0x7e: {  	_ =	shalt  }
0x7f: {  	_ =	shalt  }
0x80: {  	_ =	shalt  }
0x81: {  	_ =	shalt  }
0x82: {  	_ =	shalt  }
0x83: {  	_ =	shalt  }
0x84: {  	_ =	shalt  }
0x85: {  	_ =	shalt  }
0x86: {  	_ =	shalt  }
0x87: {  	_ =	shalt  }
.Lfunc_end0:
.L_simem_size_0:
called_computation.1_lowered:
.L_overlay_start_0:
0x88: {  	s2 =	sld [smem:$0x3FD9]  }
0x89: {  	s3 =	sld [smem:$0x3FFE];
	_ =	sdelay $0x1  }
0x8a: {  	s1 =	srdreg.scid  }
0x8b: {  	s0 =	sand.u32 $0x1, s1  }
0x8c: {  	s17 =	sshll.u32 s0, $0xA;
	s2 =	sadd.s32 s3, s2  }
0x8d: {  	s2 =	sadd.s32 s2, s17  }
0x8e: {  	[smem:$0x3FC6] =	sst s2  }
0x8f: {  	_ = 	snop  }
0x90: {  	s2 =	sld [smem:$0x3FD0];
	(tm) =	ssettm $0x1  }
0x91: {  	s18 =	sld [smem:$0x3FFB];
	_ =	sdelay $0x3  }
0x92: {  	_ =	strace s18  }
0x93: {  	s3 =	sld [smem:$0x3FFC];
	_ =	sdelay $0x3  }
0x94: {  	_ =	strace s3  }
0x95: {  	s3 =	sld [smem:$0x3FFD];
	_ =	sdelay $0x3  }
0x96: {  	_ =	strace s3  }
0x97: {  	_ =	strace $0x8FFFFFFF  }
0x98: {  	s19 =	sld [smem:$0x3FDB];
	_ =	sdelay $0x1  }
0x99: {  	s4 =	simm.s32 $_scs_section_size  }
0x9a: {  	s5 =	simm.s32 $_size__tile_overlayer_lowered;
	s6 =	simm.s32 $_tile_overlayer_lowered  }
0x9b: {  	s22 =	simm.s32 $0x1BFF;
	s21 =	sshll.u32 s6, $0x1;
	s3 =	sadd.s32 s4, s19  }
0x9c: {  	s7 =	simm.s32 $0x0;
	s20 =	sshll.u32 s5, $0x1;
	s5 =	sadd.s32 s21, s3  }
0x9d: {  	[timem:s7], [sflag:s22] =	dma.local [hbm:s5], s20  }
0x9e: {  	_ =	swait.ge [sflag:s22], s20  }
0x9f: {  	s4 =	ssub.s32 $0x0, s20;
	[sflag:s22] =	ssyncset.done $0x0  }
0xa0: {  	[sflag:s22] =	ssyncadd.s32 s4;
	_ =	sdelay $0x1  }
0xa1: {  	s23 =	simm.s32 $0x1B8B  }
0xa2: {  	_ =	swait.ge [sflag:s23], $0x1  }
0xa3: {  	[sflag:s23] =	ssyncset.done $0x0  }
0xa4: {  	s25 =	simm.s32 $0x1B8E;
	s24 =	sld [smem:$0x3FFE];
	[sflag:s23] =	ssyncadd.s32 $0xFFFFFFFF  }
0xa5: {  	s26 =	simm.s32 $execute0_lowered;
	[smem:$0x3FD2] =	sst s25  }
0xa6: {  	s5 =	sshll.u32 s26, $0x1;
	_ =	strace $0x80000046;
	[dreg:$0x1] =	wrdreg $0xFFFFFFFF  }
0xa7: {  	s28 =	simm.s32 $_size_execute0_lowered;
	s3 =	sadd.s32 s3, s5;
	[dreg:$0x0] =	wrdreg $0x0  }
0xa8: {  	s5 =	sshll.u32 s28, $0x1;
	[dreg:$0x2] =	wrdreg s3  }
0xa9: {  	[dreg:$0x3] =	wrdreg s5  }
0xaa: {  	[dreg:$0x4] =	wrdreg $0xC0  }
0xab: {  	_ =	task [dreg:s7], $0x5FFFF  }
0xac: {  	[dreg:$0x1] =	wrdreg $0xFFFFFFFF  }
0xad: {  	[dreg:$0x0] =	wrdreg $0x60  }
0xae: {  	[dreg:$0x2] =	wrdreg s24  }
0xaf: {  	[dreg:$0x3] =	wrdreg s2  }
0xb0: {  	[dreg:$0x4] =	wrdreg $0x9  }
0xb1: {  	_ =	task.clear_ibuf [dreg:s7], $0x5FFFF;
	_ =	strace $0x90000046  }
0xb2: {  	s29 =	simm.s32 $0x9;
	_ =	strace $0x80000048  }
0xb3: {  	_ =	swait.ge [sflag:s29], $0x1  }
0xb4: {  	[sflag:s29] =	ssyncadd.s32 $0xFFFFFFFF  }
0xb5: {  	_ =	strace $0x90000048  }
0xb6: {  	_ =	sfence  }
0xb7: {  	s30 =	sld [smem:$0x0];
	_ =	sdelay $0x2  }
0xb8: {  	s31 =	sshll.u32 s1, $0xD;
	s1 =	sshrl.u32 s1, $0x2  }
0xb9: {  	s3 =	sand.u32 $0x4000, s31;
	s1 =	sadd.s32 s1, s30  }
0xba: {  	s0 =	sor.u32 s3, s0;
	s1 =	sshll.u32 s1, $0x11  }
0xbb: {  	s0 =	sor.u32 s1, s0  }
0xbc: {  	s0 =	sadd.s32 $0x8F2B, s0  }
0xbd: {  	[sflag:s0] =	ssyncadd.remote.s32 $0x1  }
0xbe: {  	_ =	sfence.sel $0xFFFF  }
0xbf: {  	[dreg:$0x0] =	wrdreg $0xFFFFFFFF;
	(pc) =	sbr.abs _section_cstart, $3  }
0xc0: {  	[dreg:$0x1] =	wrdreg $0xFFFFFFFF  }
0xc1: {  	_ =	task.clear_ibuf [dreg:s7], $0x2FFFF;
	_ =	strace $0x9FFFFFFF  }
0xc2: {  	(tm) =	ssettm $0x7FFFFFFF  }
0xc3: {  	_ =	shalt  }
tec
execute0_lowered:
.L_overlay_start_1:
0x0: {  	(tag) =	ssettag $0x1  }
0x1: {  	s0 =	srdreg.scid;
	s1 =	stileid.u32  }
0x2: {  	s2 =	rddreg [dreg:$0x0];
	s3 =	simm.s32 $0x0;
	s28 =	simm.s32 $0x6  }
0x3: {  	s29 =	simm.s32 $0x7;
	s30 =	simm.s32 $0x8;
	s4 =	smul.u32 $0x320000, s1  }
0x4: {  	s12 =	simm.s32 $0x80;
	s0 =	sand.u32 $0x1, s0;
	s6 =	smul.u32 $0xC800, s1  }
0x5: {  	[smem:$0x7FF] =	sst s3;
	s7 =	sshll.u32 s1, $0x1;
	s5 =	smul.u32 $0x190000, s0  }
0x6: {  	s8 =	smul.u32 $0x6400, s0;
	s7 =	sor.u32 s0, s7;
	s0 =	ssub.s32 $0x2, s0  }
0x7: {  	_ =	strace $0x80000047;
	s21 =	sshrl.u32 s0, $0x1;
	s5 =	sadd.s32 s5, s4  }
0x8: {  	s6 =	sadd.s32 s8, s6;
	s0 =	ssub.s32 s0, s21;
	s18 =	sshrl.u32 s5, $0x3  }
0x9: {  	s6 =	sshll.u32 s6, $0x3;
	s0 =	smax.u32 s0, $0x1;
	[dreg:$0x3] =	wrdreg s18  }
0xa: {  	s7 =	smul.u32 $0xC80, s7;
	s19 =	sor.u32 $0x1800, s6;
	[dreg:$0xc] =	wrdreg s0  }
0xb: {  	s4 =	sadd.s32 $0xF43000, s2;
	s20 =	sor.u32 $0x1400, s6;
	[dreg:$0x4] =	wrdreg s19  }
0xc: {  	s2 =	sadd.s32 s7, s2;
	s22 =	sor.u32 $0x1000, s6;
	[dreg:$0x5] =	wrdreg s20  }
0xd: {  	s10 =	simm.s32 $0x6400;
	s24 =	sadd.s32 $0xA00, s2;
	[dreg:$0x6] =	wrdreg s22  }
0xe: {  	s16 =	simm.s32 $0xC400;
	s23 =	sor.u32 $0xC00, s6;
	[dreg:$0xb] =	wrdreg s24  }
0xf: {  	s21 =	simm.s32 $0x14400;
	s25 =	sor.u32 $0x800, s6;
	[dreg:$0x7] =	wrdreg s23  }
0x10: {  	s5 =	sor.u32 $0xE000, s5;
	s26 =	sor.u32 $0x400, s6;
	[dreg:$0x8] =	wrdreg s25  }
0x11: {  	s8 =	simm.s32 $0x12400;
	s31 =	sshrl.u32 s5, $0x3;
	[dreg:$0x9] =	wrdreg s26  }
0x12: {  	s2 =	simm.s32 $0x0;
	s18 =	simm.s32 $0xE400;
	[dreg:$0xa] =	wrdreg s31  }
0x13: {  	s22 =	simm.s32 $0x1;
	s23 =	simm.s32 $0x2;
	s24 =	simm.s32 $0x3  }
0x14: {  	s25 =	simm.s32 $0x4;
	s26 =	simm.s32 $0x5;
	s20 =	simm.s32 $0x10400  }
.LBB2_1:
0x15: {  	[dreg:$0xd] =	wrdreg s2  }
0x16: {  	s0 =	rddreg [dreg:$0xb];
	s14 =	simm.s32 $0x11  }
0x17: {  	[tilespmem:s3], [sflag:$0x11] =	stream.linear.gather [hbm4b:s0+s3], $0x6400, $0x38;
	[tilespmem:$0x16400] =	vst v63  }
0x18: {  	_ =	swait.ge [sflag:s14], $0x6400  }
0x19: {  	[sflag:s14] =	ssyncset.done $0x0  }
0x1a: {  	s2 =	simm.s32 $0x6400;
	s1 =	simm.s32 $0x80;
	[sflag:s14] =	ssyncadd.s32 $0xFFFF9C00  }
0x1b: {  	[tilespmem:s2], [sflag:$0x1] =	stream.indirect.gather [hbm4b:s4+s1], $0x40, s3, s1, $0xb8;
	[tilespmem:$0x16400] =	vst v63  }
0x1c: {  	s5 =	simm.s32 $0x8400  }
0x1d: {  	[tilespmem:s5], [sflag:$0x2] =	stream.indirect.gather [hbm4b:s4+s1], $0x40, s1, s1, $0xb8;
	[tilespmem:$0x16400] =	vst v63  }
0x1e: {  	s15 =	simm.s32 $0x100;
	s9 =	simm.s32 $0xA400  }
0x1f: {  	[tilespmem:s9], [sflag:$0x3] =	stream.indirect.gather [hbm4b:s4+s1], $0x40, s15, s1, $0xb8;
	[tilespmem:$0x16400] =	vst v63  }
0x20: {  	s17 =	simm.s32 $0x180;
	s11 =	simm.s32 $0xC400  }
0x21: {  	[tilespmem:s11], [sflag:$0x4] =	stream.indirect.gather [hbm4b:s4+s1], $0x40, s17, s1, $0xb8;
	[tilespmem:$0x16400] =	vst v63  }
0x22: {  	s19 =	simm.s32 $0x200;
	s13 =	simm.s32 $0xE400;
	p0 =	por $0x1, $0x1  }
0x23: {  	[tilespmem:s13], [sflag:$0x5] =	stream.indirect.gather [hbm4b:s4+s1], $0x40, s19, s1, $0xb8;
	[tilespmem:$0x16400] =	vst v63  }
0x24: {  	s6 =	simm.s32 $0x280;
	p0 =	por p0, p0;
	s15 =	simm.s32 $0x10400  }
0x25: {  	[tilespmem:s15], [sflag:$0x6] =	stream.indirect.gather [hbm4b:s4+s1], $0x40, s6, s1, $0xb8;
	[tilespmem:$0x16400] =	vst v63  }
0x26: {  	s7 =	simm.s32 $0x300;
	s0 =	simm.s32 @!p0 $0x10;
	s17 =	simm.s32 $0x12400  }
0x27: {  	[tilespmem:s17], [sflag:$0x7] =	stream.indirect.gather [hbm4b:s4+s1], $0x40, s7, s1, $0xb8;
	[tilespmem:$0x16400] =	vst v63  }
0x28: {  	_ =	swait.ge @!p0 [sflag:s0], $0x2000  }
0x29: {  	[sflag:s0] =	ssyncset.done @!p0 $0x0  }
0x2a: {  	s14 =	simm.s32 $0x380;
	[sflag:s0] =	ssyncadd.s32 @!p0 $0xFFFFE000  }
0x2b: {  	[tilespmem:s21], [sflag:$0x8] =	stream.indirect.gather [hbm4b:s4+s1], $0x40, s14, s1, $0xb8;
	[tilespmem:$0x16400] =	vst v63  }
0x2c: {  	_ =	swait.ge [sflag:s22], $0x2000  }
0x2d: {  	[sflag:s22] =	ssyncset.done $0x0  }
0x2e: {  	s19 =	rddreg [dreg:$0x3];
	[sflag:s22] =	ssyncadd.s32 $0xFFFFE000  }
0x2f: {  	s1 =	rddreg [dreg:$0x1]  }
0x30: {  	p0 =	por $0x0, $0x0;
	s0 =	sadd.s32 s1, s19  }
0x31: {  	[hbm4b:s0+s3] =	stream.linear.scatter [tilespmem:s2], [sflag:$0x9], $0x2000, $0x38;
	[tilespmem:$0x16400] =	vst v63  }
0x32: {  	s2 =	simm.s32 @!p0 $0x9  }
0x33: {  	_ =	swait.ge @!p0 [sflag:s2], $0x2000  }
0x34: {  	s6 =	simm.s32 @!p0 $0x400;
	[sflag:s2] =	ssyncset.done @!p0 $0x0  }
0x35: {  	s7 =	simm.s32 @!p0 $0x6400;
	s0 =	simm.s32 @!p0 $0x80;
	[sflag:s2] =	ssyncadd.s32 @!p0 $0xFFFFE000  }
0x36: {  	[tilespmem:s7], [sflag:$0x1] =	stream.indirect.gather @!p0 [hbm4b:s4+s0], $0x40, s6, s0, $0xb8;
	[tilespmem:$0x16400] =	vst v63  }
0x37: {  	_ =	swait.ge [sflag:s23], $0x2000  }
0x38: {  	s6 =	rddreg [dreg:$0x9];
	[sflag:s23] =	ssyncset.done $0x0  }
0x39: {  	[sflag:s23] =	ssyncadd.s32 $0xFFFFE000;
	s2 =	sadd.s32 s1, s6;
	s6 =	simm.s32 @!p0 $0xA  }
0x3a: {  	[hbm4b:s2+s3] =	stream.linear.scatter [tilespmem:s5], [sflag:$0xA], $0x2000, $0x38;
	[tilespmem:$0x16400] =	vst v63  }
0x3b: {  	_ =	swait.ge @!p0 [sflag:s6], $0x2000  }
0x3c: {  	[sflag:s6] =	ssyncset.done @!p0 $0x0  }
0x3d: {  	s7 =	simm.s32 @!p0 $0x8400;
	s2 =	simm.s32 @!p0 $0x480;
	[sflag:s6] =	ssyncadd.s32 @!p0 $0xFFFFE000  }
0x3e: {  	[tilespmem:s7], [sflag:$0x2] =	stream.indirect.gather @!p0 [hbm4b:s4+s0], $0x40, s2, s0, $0xb8;
	[tilespmem:$0x16400] =	vst v63  }
0x3f: {  	_ =	swait.ge [sflag:s24], $0x2000  }
0x40: {  	s7 =	rddreg [dreg:$0x8];
	[sflag:s24] =	ssyncset.done $0x0  }
0x41: {  	s6 =	simm.s32 @!p0 $0xB;
	[sflag:s24] =	ssyncadd.s32 $0xFFFFE000;
	s2 =	sadd.s32 s1, s7  }
0x42: {  	[hbm4b:s2+s3] =	stream.linear.scatter [tilespmem:s9], [sflag:$0xB], $0x2000, $0x38;
	[tilespmem:$0x16400] =	vst v63  }
0x43: {  	_ =	swait.ge @!p0 [sflag:s6], $0x2000  }
0x44: {  	[sflag:s6] =	ssyncset.done @!p0 $0x0  }
0x45: {  	s7 =	simm.s32 @!p0 $0xA400;
	s2 =	simm.s32 @!p0 $0x500;
	[sflag:s6] =	ssyncadd.s32 @!p0 $0xFFFFE000  }
0x46: {  	[tilespmem:s7], [sflag:$0x3] =	stream.indirect.gather @!p0 [hbm4b:s4+s0], $0x40, s2, s0, $0xb8;
	[tilespmem:$0x16400] =	vst v63  }
0x47: {  	_ =	swait.ge [sflag:s25], $0x2000  }
0x48: {  	s9 =	rddreg [dreg:$0x7];
	[sflag:s25] =	ssyncset.done $0x0  }
0x49: {  	s6 =	simm.s32 @!p0 $0xC;
	[sflag:s25] =	ssyncadd.s32 $0xFFFFE000;
	s2 =	sadd.s32 s1, s9  }
0x4a: {  	[hbm4b:s2+s3] =	stream.linear.scatter [tilespmem:s11], [sflag:$0xC], $0x2000, $0x38;
	[tilespmem:$0x16400] =	vst v63  }
0x4b: {  	_ =	swait.ge @!p0 [sflag:s6], $0x2000  }
0x4c: {  	[sflag:s6] =	ssyncset.done @!p0 $0x0  }
0x4d: {  	s7 =	simm.s32 @!p0 $0xC400;
	s2 =	simm.s32 @!p0 $0x580;
	[sflag:s6] =	ssyncadd.s32 @!p0 $0xFFFFE000  }
0x4e: {  	[tilespmem:s7], [sflag:$0x4] =	stream.indirect.gather @!p0 [hbm4b:s4+s0], $0x40, s2, s0, $0xb8;
	[tilespmem:$0x16400] =	vst v63  }
0x4f: {  	_ =	swait.ge [sflag:s26], $0x2000  }
0x50: {  	s11 =	rddreg [dreg:$0x6];
	[sflag:s26] =	ssyncset.done $0x0  }
0x51: {  	s6 =	simm.s32 @!p0 $0xD;
	[sflag:s26] =	ssyncadd.s32 $0xFFFFE000;
	s2 =	sadd.s32 s1, s11  }
0x52: {  	[hbm4b:s2+s3] =	stream.linear.scatter [tilespmem:s13], [sflag:$0xD], $0x2000, $0x38;
	[tilespmem:$0x16400] =	vst v63  }
0x53: {  	_ =	swait.ge @!p0 [sflag:s6], $0x2000  }
0x54: {  	[sflag:s6] =	ssyncset.done @!p0 $0x0  }
0x55: {  	s7 =	simm.s32 @!p0 $0xE400;
	s2 =	simm.s32 @!p0 $0x600;
	[sflag:s6] =	ssyncadd.s32 @!p0 $0xFFFFE000  }
0x56: {  	[tilespmem:s7], [sflag:$0x5] =	stream.indirect.gather @!p0 [hbm4b:s4+s0], $0x40, s2, s0, $0xb8;
	[tilespmem:$0x16400] =	vst v63  }
0x57: {  	_ =	swait.ge [sflag:s28], $0x2000  }
0x58: {  	s14 =	rddreg [dreg:$0x5];
	[sflag:s28] =	ssyncset.done $0x0  }
0x59: {  	s6 =	simm.s32 @!p0 $0xE;
	[sflag:s28] =	ssyncadd.s32 $0xFFFFE000;
	s2 =	sadd.s32 s1, s14  }
0x5a: {  	[hbm4b:s2+s3] =	stream.linear.scatter [tilespmem:s15], [sflag:$0xE], $0x2000, $0x38;
	[tilespmem:$0x16400] =	vst v63  }
0x5b: {  	_ =	swait.ge @!p0 [sflag:s6], $0x2000  }
0x5c: {  	[sflag:s6] =	ssyncset.done @!p0 $0x0  }
0x5d: {  	s7 =	simm.s32 @!p0 $0x10400;
	s2 =	simm.s32 @!p0 $0x680;
	[sflag:s6] =	ssyncadd.s32 @!p0 $0xFFFFE000  }
0x5e: {  	[tilespmem:s7], [sflag:$0x6] =	stream.indirect.gather @!p0 [hbm4b:s4+s0], $0x40, s2, s0, $0xb8;
	[tilespmem:$0x16400] =	vst v63  }
0x5f: {  	_ =	swait.ge [sflag:s29], $0x2000  }
0x60: {  	s19 =	rddreg [dreg:$0x4];
	[sflag:s29] =	ssyncset.done $0x0  }
0x61: {  	s6 =	simm.s32 @!p0 $0xF;
	[sflag:s29] =	ssyncadd.s32 $0xFFFFE000;
	s2 =	sadd.s32 s1, s19  }
0x62: {  	[hbm4b:s2+s3] =	stream.linear.scatter [tilespmem:s17], [sflag:$0xF], $0x2000, $0x38;
	[tilespmem:$0x16400] =	vst v63  }
0x63: {  	_ =	swait.ge @!p0 [sflag:s6], $0x2000  }
0x64: {  	p6 =	por $0x0, $0x0;
	s31 =	simm.s32 $0x2000;
	[sflag:s6] =	ssyncset.done @!p0 $0x0  }
0x65: {  	s11 =	simm.s32 @!p0 $0x12400;
	s2 =	simm.s32 @!p0 $0x700;
	[sflag:s6] =	ssyncadd.s32 @!p0 $0xFFFFE000  }
0x66: {  	[tilespmem:s11], [sflag:$0x7] =	stream.indirect.gather @!p0 [hbm4b:s4+s0], $0x40, s2, s0, $0xb8;
	[tilespmem:$0x16400] =	vst v63  }
0x67: {  	s7 =	simm.s32 $0x1000;
	s6 =	sadd.s32 $0x2000, s1;
	_ =	swait.ge [sflag:s30], $0x2000  }
0x68: {  	p0 =	por p6, p6;
	s2 =	smov.u32 s1;
	[sflag:s30] =	ssyncset.done $0x0  }
0x69: {  	s0 =	simm.s32 @!p0 $0x10;
	s11 =	rddreg [dreg:$0xa];
	[sflag:s30] =	ssyncadd.s32 $0xFFFFE000  }
.LBB2_2:
0x6a: {  	s11 =	sadd.s32 s2, s11  }
0x6b: {  	[hbm4b:s11+s3] =	stream.linear.scatter [tilespmem:s21], [sflag:$0x10], $0x2000, $0x38;
	[tilespmem:$0x16400] =	vst v63  }
0x6c: {  	p2 =	seq.s32 s31, $0x0;
	s5 =	sshra.s32 s7, $0x2;
	_ =	swait.ge @!p0 [sflag:s0], $0x2000  }
0x6d: {  	s13 =	smov.u32 s31;
	s9 =	sadd.s32 $0x380, s5;
	[sflag:s0] =	ssyncset.done @!p0 $0x0  }
0x6e: {  	[sflag:s0] =	ssyncadd.s32 @!p0 $0xFFFFE000;
	p0 =	por p2, p2;
	p2 =	seq.s32 s7, $0x18000  }
0x6f: {  	[tilespmem:s21], [sflag:$0x8] =	stream.indirect.gather [hbm4b:s4+s12], $0x40, s9, s12, $0xb8;
	[tilespmem:$0x16400] =	vst v63  }
0x70: {  	s14 =	simm.s32 $0x8400;
	s19 =	sshra.s32 @!p2 s7, $0x2;
	_ =	swait.ge [sflag:s22], $0x2000  }
0x71: {  	s7 =	smov.u32 s13;
	s11 =	rddreg [dreg:$0x3];
	[sflag:s22] =	ssyncset.done $0x0  }
0x72: {  	[sflag:s22] =	ssyncadd.s32 $0xFFFFE000;
	s0 =	sadd.s32 s6, s11;
	s11 =	simm.s32 @!p2 $0x9  }
0x73: {  	[hbm4b:s0+s3] =	stream.linear.scatter [tilespmem:s10], [sflag:$0x9], $0x2000, $0x38;
	[tilespmem:$0x16400] =	vst v63  }
0x74: {  	s15 =	simm.s32 @!p2 $0x6400;
	s13 =	sadd.s32 @!p2 $0x400, s19;
	_ =	swait.ge @!p2 [sflag:s11], $0x2000  }
0x75: {  	s1 =	sadd.s32 @!p2 $0x480, s19;
	s5 =	sadd.s32 @!p2 $0x500, s19;
	[sflag:s11] =	ssyncset.done @!p2 $0x0  }
0x76: {  	s17 =	sadd.s32 @!p2 $0x580, s19;
	s0 =	simm.s32 @!p2 $0x80;
	[sflag:s11] =	ssyncadd.s32 @!p2 $0xFFFFE000  }
0x77: {  	[tilespmem:s15], [sflag:$0x1] =	stream.indirect.gather @!p2 [hbm4b:s4+s0], $0x40, s13, s0, $0xb8;
	[tilespmem:$0x16400] =	vst v63  }
0x78: {  	s11 =	sadd.s32 @!p2 $0x700, s19;
	s15 =	sadd.s32 @!p2 $0x600, s19;
	_ =	swait.ge [sflag:s23], $0x2000  }
0x79: {  	s13 =	sadd.s32 @!p2 $0x680, s19;
	s9 =	rddreg [dreg:$0x9];
	[sflag:s23] =	ssyncset.done $0x0  }
0x7a: {  	s19 =	simm.s32 @!p2 $0xA;
	[sflag:s23] =	ssyncadd.s32 $0xFFFFE000;
	s9 =	sadd.s32 s6, s9  }
0x7b: {  	[hbm4b:s9+s3] =	stream.linear.scatter [tilespmem:s14], [sflag:$0xA], $0x2000, $0x38;
	[tilespmem:$0x16400] =	vst v63  }
0x7c: {  	_ =	swait.ge @!p2 [sflag:s19], $0x2000  }
0x7d: {  	[sflag:s19] =	ssyncset.done @!p2 $0x0  }
0x7e: {  	s9 =	simm.s32 @!p2 $0x8400;
	[sflag:s19] =	ssyncadd.s32 @!p2 $0xFFFFE000  }
0x7f: {  	[tilespmem:s9], [sflag:$0x2] =	stream.indirect.gather @!p2 [hbm4b:s4+s0], $0x40, s1, s0, $0xb8;
	[tilespmem:$0x16400] =	vst v63  }
0x80: {  	_ =	swait.ge [sflag:s24], $0x2000  }
0x81: {  	s19 =	simm.s32 $0xA400;
	s14 =	rddreg [dreg:$0x8];
	[sflag:s24] =	ssyncset.done $0x0  }
0x82: {  	s9 =	simm.s32 @!p2 $0xB;
	[sflag:s24] =	ssyncadd.s32 $0xFFFFE000;
	s1 =	sadd.s32 s6, s14  }
0x83: {  	[hbm4b:s1+s3] =	stream.linear.scatter [tilespmem:s19], [sflag:$0xB], $0x2000, $0x38;
	[tilespmem:$0x16400] =	vst v63  }
0x84: {  	_ =	swait.ge @!p2 [sflag:s9], $0x2000  }
0x85: {  	[sflag:s9] =	ssyncset.done @!p2 $0x0  }
0x86: {  	s1 =	simm.s32 @!p2 $0xA400;
	[sflag:s9] =	ssyncadd.s32 @!p2 $0xFFFFE000  }
0x87: {  	[tilespmem:s1], [sflag:$0x3] =	stream.indirect.gather @!p2 [hbm4b:s4+s0], $0x40, s5, s0, $0xb8;
	[tilespmem:$0x16400] =	vst v63  }
0x88: {  	_ =	swait.ge [sflag:s25], $0x2000  }
0x89: {  	s9 =	rddreg [dreg:$0x7];
	[sflag:s25] =	ssyncset.done $0x0  }
0x8a: {  	s5 =	simm.s32 @!p2 $0xC;
	[sflag:s25] =	ssyncadd.s32 $0xFFFFE000;
	s1 =	sadd.s32 s6, s9  }
0x8b: {  	[hbm4b:s1+s3] =	stream.linear.scatter [tilespmem:s16], [sflag:$0xC], $0x2000, $0x38;
	[tilespmem:$0x16400] =	vst v63  }
0x8c: {  	_ =	swait.ge @!p2 [sflag:s5], $0x2000  }
0x8d: {  	[sflag:s5] =	ssyncset.done @!p2 $0x0  }
0x8e: {  	s1 =	simm.s32 @!p2 $0xC400;
	[sflag:s5] =	ssyncadd.s32 @!p2 $0xFFFFE000  }
0x8f: {  	[tilespmem:s1], [sflag:$0x4] =	stream.indirect.gather @!p2 [hbm4b:s4+s0], $0x40, s17, s0, $0xb8;
	[tilespmem:$0x16400] =	vst v63  }
0x90: {  	_ =	swait.ge [sflag:s26], $0x2000  }
0x91: {  	s14 =	rddreg [dreg:$0x6];
	[sflag:s26] =	ssyncset.done $0x0  }
0x92: {  	s5 =	simm.s32 @!p2 $0xD;
	[sflag:s26] =	ssyncadd.s32 $0xFFFFE000;
	s1 =	sadd.s32 s6, s14  }
0x93: {  	[hbm4b:s1+s3] =	stream.linear.scatter [tilespmem:s18], [sflag:$0xD], $0x2000, $0x38;
	[tilespmem:$0x16400] =	vst v63  }
0x94: {  	_ =	swait.ge @!p2 [sflag:s5], $0x2000  }
0x95: {  	[sflag:s5] =	ssyncset.done @!p2 $0x0  }
0x96: {  	s1 =	simm.s32 @!p2 $0xE400;
	[sflag:s5] =	ssyncadd.s32 @!p2 $0xFFFFE000  }
0x97: {  	[tilespmem:s1], [sflag:$0x5] =	stream.indirect.gather @!p2 [hbm4b:s4+s0], $0x40, s15, s0, $0xb8;
	[tilespmem:$0x16400] =	vst v63  }
0x98: {  	_ =	swait.ge [sflag:s28], $0x2000  }
0x99: {  	s17 =	rddreg [dreg:$0x5];
	[sflag:s28] =	ssyncset.done $0x0  }
0x9a: {  	s5 =	simm.s32 @!p2 $0xE;
	[sflag:s28] =	ssyncadd.s32 $0xFFFFE000;
	s1 =	sadd.s32 s6, s17  }
0x9b: {  	[hbm4b:s1+s3] =	stream.linear.scatter [tilespmem:s20], [sflag:$0xE], $0x2000, $0x38;
	[tilespmem:$0x16400] =	vst v63  }
0x9c: {  	_ =	swait.ge @!p2 [sflag:s5], $0x2000  }
0x9d: {  	[sflag:s5] =	ssyncset.done @!p2 $0x0  }
0x9e: {  	s1 =	simm.s32 @!p2 $0x10400;
	[sflag:s5] =	ssyncadd.s32 @!p2 $0xFFFFE000  }
0x9f: {  	[tilespmem:s1], [sflag:$0x6] =	stream.indirect.gather @!p2 [hbm4b:s4+s0], $0x40, s13, s0, $0xb8;
	[tilespmem:$0x16400] =	vst v63  }
0xa0: {  	_ =	swait.ge [sflag:s29], $0x2000  }
0xa1: {  	s19 =	rddreg [dreg:$0x4];
	[sflag:s29] =	ssyncset.done $0x0  }
0xa2: {  	s5 =	simm.s32 @!p2 $0xF;
	[sflag:s29] =	ssyncadd.s32 $0xFFFFE000;
	s1 =	sadd.s32 s6, s19  }
0xa3: {  	[hbm4b:s1+s3] =	stream.linear.scatter [tilespmem:s8], [sflag:$0xF], $0x2000, $0x38;
	[tilespmem:$0x16400] =	vst v63  }
0xa4: {  	s31 =	sadd.s32 $0x1000, s31;
	_ =	swait.ge @!p2 [sflag:s5], $0x2000  }
0xa5: {  	p1 =	sne.s32 s31, $0x19000;
	[sflag:s5] =	ssyncset.done @!p2 $0x0  }
.Ltmp0:
0xa6: {  	s1 =	simm.s32 @!p2 $0x12400;
	[sflag:s5] =	ssyncadd.s32 @!p2 $0xFFFFE000;
	(pc) =	sbr.rel @p1 .LBB2_2-.Ltmp0, $4  }
0xa7: {  	[tilespmem:s1], [sflag:$0x7] =	stream.indirect.gather @!p2 [hbm4b:s4+s0], $0x40, s11, s0, $0xb8;
	[tilespmem:$0x16400] =	vst v63  }
0xa8: {  	_ =	swait.ge [sflag:s30], $0x2000  }
0xa9: {  	s2 =	smov.u32 s6;
	s6 =	sadd.s32 $0x2000, s6;
	[sflag:s30] =	ssyncset.done $0x0  }
0xaa: {  	s0 =	simm.s32 @!p0 $0x10;
	s11 =	rddreg [dreg:$0xa];
	[sflag:s30] =	ssyncadd.s32 $0xFFFFE000  }
0xab: {  	s1 =	sadd.s32 s2, s11  }
0xac: {  	[hbm4b:s1+s3] =	stream.linear.scatter [tilespmem:s21], [sflag:$0x10], $0x2000, $0x38;
	[tilespmem:$0x16400] =	vst v63  }
0xad: {  	_ =	swait.ge @!p0 [sflag:s0], $0x2000  }
0xae: {  	s31 =	sshra.s32 s7, $0x2;
	[sflag:s0] =	ssyncset.done @!p0 $0x0  }
0xaf: {  	s2 =	sadd.s32 $0x380, s31;
	[sflag:s0] =	ssyncadd.s32 @!p0 $0xFFFFE000  }
0xb0: {  	[tilespmem:s21], [sflag:$0x8] =	stream.indirect.gather [hbm4b:s4+s12], $0x40, s2, s12, $0xb8;
	[tilespmem:$0x16400] =	vst v63  }
0xb1: {  	_ =	swait.ge [sflag:s22], $0x2000  }
0xb2: {  	p0 =	seq.s32 s7, $0x18000;
	s5 =	rddreg [dreg:$0x3];
	[sflag:s22] =	ssyncset.done $0x0  }
0xb3: {  	s1 =	simm.s32 @!p0 $0x9;
	[sflag:s22] =	ssyncadd.s32 $0xFFFFE000;
	s0 =	sadd.s32 s6, s5  }
0xb4: {  	[hbm4b:s0+s3] =	stream.linear.scatter [tilespmem:s10], [sflag:$0x9], $0x2000, $0x38;
	[tilespmem:$0x16400] =	vst v63  }
0xb5: {  	_ =	swait.ge @!p0 [sflag:s1], $0x2000  }
0xb6: {  	s2 =	simm.s32 @!p0 $0x80;
	s0 =	sshra.s32 @!p0 s7, $0x2;
	[sflag:s1] =	ssyncset.done @!p0 $0x0  }
0xb7: {  	s5 =	sadd.s32 @!p0 $0x400, s0;
	[sflag:s1] =	ssyncadd.s32 @!p0 $0xFFFFE000;
	s1 =	simm.s32 @!p0 $0x6400  }
0xb8: {  	[tilespmem:s1], [sflag:$0x1] =	stream.indirect.gather @!p0 [hbm4b:s4+s2], $0x40, s5, s2, $0xb8;
	[tilespmem:$0x16400] =	vst v63  }
0xb9: {  	_ =	swait.ge [sflag:s23], $0x2000  }
0xba: {  	s11 =	simm.s32 $0x8400;
	s9 =	rddreg [dreg:$0x9];
	[sflag:s23] =	ssyncset.done $0x0  }
0xbb: {  	s5 =	simm.s32 @!p0 $0xA;
	[sflag:s23] =	ssyncadd.s32 $0xFFFFE000;
	s1 =	sadd.s32 s6, s9  }
0xbc: {  	[hbm4b:s1+s3] =	stream.linear.scatter [tilespmem:s11], [sflag:$0xA], $0x2000, $0x38;
	[tilespmem:$0x16400] =	vst v63  }
0xbd: {  	_ =	swait.ge @!p0 [sflag:s5], $0x2000  }
0xbe: {  	[sflag:s5] =	ssyncset.done @!p0 $0x0  }
0xbf: {  	s1 =	sadd.s32 @!p0 $0x480, s0;
	[sflag:s5] =	ssyncadd.s32 @!p0 $0xFFFFE000;
	s5 =	simm.s32 @!p0 $0x8400  }
0xc0: {  	[tilespmem:s5], [sflag:$0x2] =	stream.indirect.gather @!p0 [hbm4b:s4+s2], $0x40, s1, s2, $0xb8;
	[tilespmem:$0x16400] =	vst v63  }
0xc1: {  	_ =	swait.ge [sflag:s24], $0x2000  }
0xc2: {  	s14 =	simm.s32 $0xA400;
	s13 =	rddreg [dreg:$0x8];
	[sflag:s24] =	ssyncset.done $0x0  }
0xc3: {  	s5 =	simm.s32 @!p0 $0xB;
	[sflag:s24] =	ssyncadd.s32 $0xFFFFE000;
	s1 =	sadd.s32 s6, s13  }
0xc4: {  	[hbm4b:s1+s3] =	stream.linear.scatter [tilespmem:s14], [sflag:$0xB], $0x2000, $0x38;
	[tilespmem:$0x16400] =	vst v63  }
0xc5: {  	_ =	swait.ge @!p0 [sflag:s5], $0x2000  }
0xc6: {  	[sflag:s5] =	ssyncset.done @!p0 $0x0  }
0xc7: {  	s1 =	sadd.s32 @!p0 $0x500, s0;
	[sflag:s5] =	ssyncadd.s32 @!p0 $0xFFFFE000;
	s5 =	simm.s32 @!p0 $0xA400  }
0xc8: {  	[tilespmem:s5], [sflag:$0x3] =	stream.indirect.gather @!p0 [hbm4b:s4+s2], $0x40, s1, s2, $0xb8;
	[tilespmem:$0x16400] =	vst v63  }
0xc9: {  	_ =	swait.ge [sflag:s25], $0x2000  }
0xca: {  	s15 =	rddreg [dreg:$0x7];
	[sflag:s25] =	ssyncset.done $0x0  }
0xcb: {  	s5 =	simm.s32 @!p0 $0xC;
	[sflag:s25] =	ssyncadd.s32 $0xFFFFE000;
	s1 =	sadd.s32 s6, s15  }
0xcc: {  	[hbm4b:s1+s3] =	stream.linear.scatter [tilespmem:s16], [sflag:$0xC], $0x2000, $0x38;
	[tilespmem:$0x16400] =	vst v63  }
0xcd: {  	_ =	swait.ge @!p0 [sflag:s5], $0x2000  }
0xce: {  	[sflag:s5] =	ssyncset.done @!p0 $0x0  }
0xcf: {  	s1 =	sadd.s32 @!p0 $0x580, s0;
	[sflag:s5] =	ssyncadd.s32 @!p0 $0xFFFFE000;
	s5 =	simm.s32 @!p0 $0xC400  }
0xd0: {  	[tilespmem:s5], [sflag:$0x4] =	stream.indirect.gather @!p0 [hbm4b:s4+s2], $0x40, s1, s2, $0xb8;
	[tilespmem:$0x16400] =	vst v63  }
0xd1: {  	_ =	swait.ge [sflag:s26], $0x2000  }
0xd2: {  	s17 =	rddreg [dreg:$0x6];
	[sflag:s26] =	ssyncset.done $0x0  }
0xd3: {  	s5 =	simm.s32 @!p0 $0xD;
	[sflag:s26] =	ssyncadd.s32 $0xFFFFE000;
	s1 =	sadd.s32 s6, s17  }
0xd4: {  	[hbm4b:s1+s3] =	stream.linear.scatter [tilespmem:s18], [sflag:$0xD], $0x2000, $0x38;
	[tilespmem:$0x16400] =	vst v63  }
0xd5: {  	_ =	swait.ge @!p0 [sflag:s5], $0x2000  }
0xd6: {  	[sflag:s5] =	ssyncset.done @!p0 $0x0  }
0xd7: {  	s1 =	sadd.s32 @!p0 $0x600, s0;
	[sflag:s5] =	ssyncadd.s32 @!p0 $0xFFFFE000;
	s5 =	simm.s32 @!p0 $0xE400  }
0xd8: {  	[tilespmem:s5], [sflag:$0x5] =	stream.indirect.gather @!p0 [hbm4b:s4+s2], $0x40, s1, s2, $0xb8;
	[tilespmem:$0x16400] =	vst v63  }
0xd9: {  	_ =	swait.ge [sflag:s28], $0x2000  }
0xda: {  	s19 =	rddreg [dreg:$0x5];
	[sflag:s28] =	ssyncset.done $0x0  }
0xdb: {  	s5 =	simm.s32 @!p0 $0xE;
	[sflag:s28] =	ssyncadd.s32 $0xFFFFE000;
	s1 =	sadd.s32 s6, s19  }
0xdc: {  	[hbm4b:s1+s3] =	stream.linear.scatter [tilespmem:s20], [sflag:$0xE], $0x2000, $0x38;
	[tilespmem:$0x16400] =	vst v63  }
0xdd: {  	_ =	swait.ge @!p0 [sflag:s5], $0x2000  }
0xde: {  	[sflag:s5] =	ssyncset.done @!p0 $0x0  }
0xdf: {  	s1 =	sadd.s32 @!p0 $0x680, s0;
	[sflag:s5] =	ssyncadd.s32 @!p0 $0xFFFFE000;
	s5 =	simm.s32 @!p0 $0x10400  }
0xe0: {  	[tilespmem:s5], [sflag:$0x6] =	stream.indirect.gather @!p0 [hbm4b:s4+s2], $0x40, s1, s2, $0xb8;
	[tilespmem:$0x16400] =	vst v63  }
0xe1: {  	_ =	swait.ge [sflag:s29], $0x2000  }
0xe2: {  	s31 =	rddreg [dreg:$0x4];
	[sflag:s29] =	ssyncset.done $0x0  }
0xe3: {  	[sflag:s29] =	ssyncadd.s32 $0xFFFFE000;
	s1 =	sadd.s32 s6, s31  }
0xe4: {  	[hbm4b:s1+s3] =	stream.linear.scatter [tilespmem:s8], [sflag:$0xF], $0x2000, $0x38;
	[tilespmem:$0x16400] =	vst v63  }
0xe5: {  	s1 =	simm.s32 @!p0 $0xF  }
0xe6: {  	_ =	swait.ge @!p0 [sflag:s1], $0x2000  }
0xe7: {  	[sflag:s1] =	ssyncset.done @!p0 $0x0  }
0xe8: {  	s0 =	sadd.s32 @!p0 $0x700, s0;
	[sflag:s1] =	ssyncadd.s32 @!p0 $0xFFFFE000;
	s1 =	simm.s32 @!p0 $0x12400  }
0xe9: {  	[tilespmem:s1], [sflag:$0x7] =	stream.indirect.gather @!p0 [hbm4b:s4+s2], $0x40, s0, s2, $0xb8;
	[tilespmem:$0x16400] =	vst v63  }
0xea: {  	_ =	swait.ge [sflag:s30], $0x2000  }
0xeb: {  	s5 =	rddreg [dreg:$0xa];
	[sflag:s30] =	ssyncset.done $0x0  }
0xec: {  	s0 =	sadd.s32 s6, s5;
	[sflag:s30] =	ssyncadd.s32 $0xFFFFE000;
	s6 =	simm.s32 $0x9  }
0xed: {  	[hbm4b:s0+s3] =	stream.linear.scatter [tilespmem:s21], [sflag:$0x10], $0x2000, $0x38;
	[tilespmem:$0x16400] =	vst v63  }
0xee: {  	_ =	swait.ge [sflag:s6], $0x2000  }
0xef: {  	[sflag:s6] =	ssyncset.done $0x0  }
0xf0: {  	s7 =	simm.s32 $0xA;
	[sflag:s6] =	ssyncadd.s32 $0xFFFFE000  }
0xf1: {  	_ =	swait.ge [sflag:s7], $0x2000  }
0xf2: {  	[sflag:s7] =	ssyncset.done $0x0  }
0xf3: {  	s9 =	simm.s32 $0xB;
	[sflag:s7] =	ssyncadd.s32 $0xFFFFE000  }
0xf4: {  	_ =	swait.ge [sflag:s9], $0x2000  }
0xf5: {  	[sflag:s9] =	ssyncset.done $0x0  }
0xf6: {  	s11 =	simm.s32 $0xC;
	[sflag:s9] =	ssyncadd.s32 $0xFFFFE000  }
0xf7: {  	_ =	swait.ge [sflag:s11], $0x2000  }
0xf8: {  	[sflag:s11] =	ssyncset.done $0x0  }
0xf9: {  	s13 =	simm.s32 $0xD;
	[sflag:s11] =	ssyncadd.s32 $0xFFFFE000  }
0xfa: {  	_ =	swait.ge [sflag:s13], $0x2000  }
0xfb: {  	[sflag:s13] =	ssyncset.done $0x0  }
0xfc: {  	s14 =	simm.s32 $0xE;
	[sflag:s13] =	ssyncadd.s32 $0xFFFFE000  }
0xfd: {  	_ =	swait.ge [sflag:s14], $0x2000  }
0xfe: {  	[sflag:s14] =	ssyncset.done $0x0  }
0xff: {  	s15 =	simm.s32 $0xF;
	[sflag:s14] =	ssyncadd.s32 $0xFFFFE000  }
0x100: {  	_ =	swait.ge [sflag:s15], $0x2000  }
0x101: {  	[sflag:s15] =	ssyncset.done $0x0  }
0x102: {  	s17 =	simm.s32 $0x10;
	[sflag:s15] =	ssyncadd.s32 $0xFFFFE000  }
0x103: {  	_ =	swait.ge [sflag:s17], $0x2000  }
0x104: {  	s19 =	rddreg [dreg:$0xd]  }
0x105: {  	s31 =	rddreg [dreg:$0xc];
	s2 =	sadd.s32 $0x1, s19  }
0x106: {  	p0 =	sne.s32 s2, s31  }
.Ltmp1:
0x107: {  	_ = 	snop;
	(pc) =	sbr.rel @p0 .LBB2_1-.Ltmp1, $3  }
0x108: {  	_ =	sdelay $0x1  }
0x109: {  	[sflag:s17] =	ssyncset.done $0x0  }
0x10a: {  	[sflag:s17] =	ssyncadd.s32 $0xFFFFE000  }
0x10b: {  	_ =	sfence.sel $0x180000  }
0x10c: {  	[bflag:$0x0] =	sbarrier.arrive $0xFFFF  }
0x10d: {  	_ =	strace $0x90000047  }
0x10e: {  	s0 =	stileid.u32;
	[bflag:$0x2] =	sbarrier.arrive $0xFFFF  }
0x10f: {  	p0 =	sne.s32 s0, $0x0;
	s0 =	rddreg [dreg:$0x2]  }
0x110: {  	s0 =	sadd.s32 @!p0 $0x100000, s0  }
0x111: {  	[sflag:s0] =	ssyncadd.tile.s32 @!p0 $0x1;
	_ =	shalt  }
.Lfunc_end2:
_tile_overlayer_lowered:
.L_overlay_start_2:
0x112: {  	(tag) =	ssettag $0x2  }
0x113: {  	s0 =	rddreg [dreg:$0x0];
	s2 =	stileid.u32  }
0x114: {  	s1 =	rddreg [dreg:$0x1];
	p0 =	sne.s32 s2, $0x0  }
0x115: {  	s3 =	rddreg [dreg:$0x2];
	[bflag:$0x3] =	sbarrier.arrive $0xFFFF;
	s2 =	simm.s32 @!p0 $0x1C11  }
0x116: {  	[timem:s3], [sflag:s2] =	dma.local @!p0 [hbm:s0], s1  }
0x117: {  	s0 =	simm.s32 @!p0 $0x11  }
0x118: {  	_ =	swait.ge @!p0 [sflag:s0], s1  }
0x119: {  	s1 =	ssub.s32 @!p0 $0x0, s1;
	[sflag:s0] =	ssyncset.done @!p0 $0x0  }
0x11a: {  	[sflag:s0] =	ssyncadd.s32 @!p0 s1  }
0x11b: {  	[bflag:$0x3] =	sbarrier.arrive $0xFFFF  }
0x11c: {  	_ =	shalt  }

// kernel: sparse-core-data-format-call.cloned.1.call-start
scs
called_computation_lowered:
.L_overlay_start_0:
0x0: {  	s2 =	sld [smem:$0x3FD9]  }
0x1: {  	s3 =	sld [smem:$0x3FFE];
	_ =	sdelay $0x1  }
0x2: {  	s1 =	srdreg.scid  }
0x3: {  	s0 =	sand.u32 $0x1, s1  }
0x4: {  	s18 =	sshll.u32 s0, $0xA;
	s2 =	sadd.s32 s3, s2  }
0x5: {  	s2 =	sadd.s32 s2, s18  }
0x6: {  	[smem:$0x3FC6] =	sst s2  }
0x7: {  	_ = 	snop  }
0x8: {  	s2 =	sld [smem:$0x3FD0];
	(tm) =	ssettm $0x1  }
0x9: {  	s19 =	sld [smem:$0x3FFB];
	_ =	sdelay $0x3  }
0xa: {  	_ =	strace s19  }
0xb: {  	s3 =	sld [smem:$0x3FFC];
	_ =	sdelay $0x3  }
0xc: {  	_ =	strace s3  }
0xd: {  	s3 =	sld [smem:$0x3FFD];
	_ =	sdelay $0x3  }
0xe: {  	_ =	strace s3  }
0xf: {  	_ =	strace $0x8FFFFFFF  }
0x10: {  	s20 =	sld [smem:$0x3FDB];
	_ =	sdelay $0x1  }
0x11: {  	s4 =	simm.s32 $_scs_section_size  }
0x12: {  	s5 =	simm.s32 $_size__tile_overlayer_lowered;
	s6 =	simm.s32 $_tile_overlayer_lowered  }
0x13: {  	s23 =	simm.s32 $0x1BFF;
	s22 =	sshll.u32 s6, $0x1;
	s3 =	sadd.s32 s4, s20  }
0x14: {  	s7 =	simm.s32 $0x0;
	s21 =	sshll.u32 s5, $0x1;
	s5 =	sadd.s32 s22, s3  }
0x15: {  	[timem:s7], [sflag:s23] =	dma.local [hbm:s5], s21  }
0x16: {  	_ =	swait.ge [sflag:s23], s21  }
0x17: {  	s4 =	ssub.s32 $0x0, s21;
	[sflag:s23] =	ssyncset.done $0x0  }
0x18: {  	[sflag:s23] =	ssyncadd.s32 s4;
	_ =	sdelay $0x1  }
0x19: {  	s24 =	simm.s32 $0x1B8B  }
0x1a: {  	_ =	swait.ge [sflag:s24], $0x1  }
0x1b: {  	[sflag:s24] =	ssyncset.done $0x0  }
0x1c: {  	s26 =	simm.s32 $0x1B8E;
	s25 =	sld [smem:$0x3FFE];
	[sflag:s24] =	ssyncadd.s32 $0xFFFFFFFF  }
0x1d: {  	s27 =	simm.s32 $execute0_lowered;
	[smem:$0x3FD2] =	sst s26  }
0x1e: {  	s5 =	sshll.u32 s27, $0x1;
	_ =	strace $0x80000049;
	[dreg:$0x1] =	wrdreg $0xFFFFFFFF  }
0x1f: {  	s28 =	simm.s32 $_size_execute0_lowered;
	s3 =	sadd.s32 s3, s5;
	[dreg:$0x0] =	wrdreg $0x0  }
0x20: {  	s5 =	sshll.u32 s28, $0x1;
	[dreg:$0x2] =	wrdreg s3  }
0x21: {  	[dreg:$0x3] =	wrdreg s5  }
0x22: {  	[dreg:$0x4] =	wrdreg $0xC0  }
0x23: {  	_ =	task [dreg:s7], $0x5FFFF  }
0x24: {  	[dreg:$0x1] =	wrdreg $0xFFFFFFFF  }
0x25: {  	[dreg:$0x0] =	wrdreg $0x60  }
0x26: {  	[dreg:$0x2] =	wrdreg s25  }
0x27: {  	[dreg:$0x3] =	wrdreg s2  }
0x28: {  	[dreg:$0x4] =	wrdreg $0x9  }
0x29: {  	_ =	task.clear_ibuf [dreg:s7], $0x5FFFF;
	_ =	strace $0x90000049  }
0x2a: {  	s29 =	simm.s32 $0x9;
	_ =	strace $0x8000004B  }
0x2b: {  	_ =	swait.ge [sflag:s29], $0x1  }
0x2c: {  	[sflag:s29] =	ssyncadd.s32 $0xFFFFFFFF  }
0x2d: {  	_ =	strace $0x9000004B  }
0x2e: {  	_ =	sfence  }
0x2f: {  	s30 =	sld [smem:$0x0];
	_ =	sdelay $0x2  }
0x30: {  	s31 =	sshll.u32 s1, $0xD;
	s1 =	sshrl.u32 s1, $0x2  }
0x31: {  	s3 =	sand.u32 $0x4000, s31;
	s1 =	sadd.s32 s1, s30  }
0x32: {  	s0 =	sor.u32 s3, s0;
	s1 =	sshll.u32 s1, $0x11  }
0x33: {  	s0 =	sor.u32 s1, s0  }
0x34: {  	s0 =	sadd.s32 $0x8F2B, s0  }
0x35: {  	[sflag:s0] =	ssyncadd.remote.s32 $0x1  }
0x36: {  	_ =	sfence.sel $0xFFFF  }
0x37: {  	[dreg:$0x0] =	wrdreg $0xFFFFFFFF;
	(pc) =	sbr.abs _section_cstart, $3  }
0x38: {  	[dreg:$0x1] =	wrdreg $0xFFFFFFFF  }
0x39: {  	_ =	task.clear_ibuf [dreg:s7], $0x2FFFF;
	_ =	strace $0x9FFFFFFF  }
0x3a: {  	(tm) =	ssettm $0x7FFFFFFF  }
0x3b: {  	_ =	shalt  }
tec
execute0_lowered:
.L_overlay_start_1:
0x0: {  	(tag) =	ssettag $0x1  }
0x1: {  	s0 =	srdreg.scid  }
0x2: {  	s1 =	sshll.u32 s0, $0x4  }
0x3: {  	s0 =	stileid.u32;
	s1 =	sand.u32 $0x10, s1  }
0x4: {  	s1 =	sor.u32 s0, s1  }
0x5: {  	s6 =	rddreg [dreg:$0x0];
	s4 =	simm.s32 $0x1;
	s2 =	sshll.u32 s1, $0x7  }
0x6: {  	s7 =	simm.s32 $0x2;
	s12 =	simm.s32 $0x0;
	s1 =	ssub.s32 $0x4000, s2  }
0x7: {  	s8 =	simm.s32 $0x20000;
	s13 =	simm.s32 $0x0;
	s3 =	sand.u32 $0xF80, s1  }
0x8: {  	s9 =	simm.s32 $0x0;
	s5 =	sshrl.u32 s1, $0xC;
	p0 =	sne.s32 s3, $0x0  }
.Ltmp0:
0x9: {  	s1 =	rddreg [dreg:$0x2];
	s4 =	simm.s32 @!p0 $0x0;
	(pc) =	sbr.rel .LBB1_1-.Ltmp0, $4  }
0xa: {  	s11 =	simm.s32 $0x0;
	s3 =	rddreg [dreg:$0x1];
	s5 =	sadd.s32 s4, s5  }
0xb: {  	_ =	strace $0x8000004A;
	s4 =	simm.s32 $0x1;
	s5 =	smul.u32 $0x32, s5  }
0xc: {  	s6 =	sadd.s32 $0xA00, s6;
	s10 =	smov.u32 s2;
	[sflag:s4] =	ssyncpa.u1 $0x0  }
0xd: {  	p0 =	por $0x0, $0x0;
	[sflag:s7] =	ssyncpa.u1 $0x0;
	s7 =	sor.u32 $0x1, s5  }
.LBB1_4:
0xe: {  	s16 =	sshll.u32 s13, $0x3;
	s17 =	sand.u32 $0x78, s13  }
0xf: {  	s30 =	sand.u32 $0x1F800, s13;
	s12 =	sshll.u32 s12, $0x11;
	s16 =	sand.u32 $0x3C00, s16  }
0x10: {  	[tilespmem:s15+$0x810 ss:$0x81] =	vst.msk $0xffff, v2;
	s31 =	sand.u32 $0x7, s13;
	s16 =	sor.u32 s17, s16;
	s17 =	sadd.s32 s3, s30  }
0x11: {  	[tilespmem:s15+$0x1020 ss:$0x81] =	vst.msk $0xffff, v0;
	s13 =	sshll.u32 s31, $0x12;
	s12 =	sadd.s32 s12, s17;
	s16 =	sshrl.u32 s16, $0x3  }
0x12: {  	[tilespmem:s15+$0x0 ss:$0x81] =	vst.msk $0xffff, v1;
	s13 =	sor.u32 $0x400, s13;
	s12 =	sadd.s32 s16, s12  }
0x13: {  	[hbm4b:s12+s13] =	stream.strided.scatter [tilespmem:s14], [sflag:$0x2], $0x2000, s8, s13, $0x20;
	[tilespmem:$0x8080] =	vst v63  }
.LBB1_5:
0x14: {  	s14 =	sadd.s32 $0x1, s9  }
0x15: {  	s12 =	sadd.s32 $0x1000, s10;
	s16 =	smov.u32 s10;
	p2 =	sgt.s32 s14, $0x31  }
0x16: {  	s16 =	smov.u32 @p2 s12  }
0x17: {  	s14 =	simm.s32 @p2 $0x0;
	p2 =	sgt.s32 s16, $0x3FFF  }
0x18: {  	s16 =	smov.u32 @p2 s2;
	p2 =	sne.s32 s11, s7  }
.Ltmp1:
0x19: {  	p1 =	slt.u32 s11, $0x2;
	(pc) =	sbr.rel @!p2 .LBB1_6-.Ltmp1, $4  }
0x1a: {  	s15 =	simm.s32 @!p1 $0x2  }
0x1b: {  	s13 =	smov.u32 s10;
	p0 =	por !p0, !p0;
	_ =	swait.ge @!p1 [sflag:s15], $0x2000  }
0x1c: {  	s12 =	smov.u32 s9;
	[sflag:s15] =	ssyncset.done @!p1 $0x0;
	s9 =	smov.u32 s14  }
0x1d: {  	s11 =	sadd.s32 $0x1, s11;
	[sflag:s15] =	ssyncadd.s32 @!p1 $0xFFFFE000;
	s10 =	smov.u32 s16  }
.LBB1_1:
0x1e: {  	p1 =	sge.u32 s11, s5  }
0x1f: {  	s14 =	sand.u32 @!p1 $0x1FFFFFF, s9  }
0x20: {  	s15 =	smulhi.u32 @!p1 $0x4924925, s14;
	_ =	sdelay $0x1  }
0x21: {  	s15 =	smul.u32 @!p1 $0x38, s15  }
0x22: {  	s16 =	sxor.u32 @!p1 $0xFFFFFFFF, s11;
	s17 =	smul.u32 @!p1 $0x380, s10  }
0x23: {  	s31 =	sadd.s32 $0xFFFFFFFF, s11;
	s16 =	sshll.u32 @!p1 s16, $0xD;
	s14 =	ssub.s32 @!p1 s14, s15  }
0x24: {  	s15 =	sand.u32 @!p1 $0x2000, s16;
	s16 =	sadd.s32 @!p1 s6, s17;
	s14 =	sshll.u32 @!p1 s14, $0x4  }
0x25: {  	s17 =	simm.s32 @!p1 $0x1C00;
	s14 =	sadd.s32 @!p1 s14, s16;
	s16 =	simm.s32 @!p1 $0x40  }
0x26: {  	[tilespmem:s15], [sflag:$0x1] =	stream.strided.gather @!p1 [hbm4b:s14+s16], $0x2000, s17, s16, $0x38;
	[tilespmem:$0x8080] =	vst v63  }
0x27: {  	p1 =	sge.u32 s31, s5  }
.Ltmp2:
0x28: {  	_ = 	snop;
	(pc) =	sbr.rel @p1 .LBB1_5-.Ltmp2, $1  }
0x29: {  	_ =	sdelay $0x3  }
0x2a: {  	s14 =	simm.s32 $0x1  }
0x2b: {  	_ =	swait.ge [sflag:s4], $0x2000;
	s14 =	simm.s32 @!p0 $0x0  }
0x2c: {  	[sflag:s4] =	ssyncset.done $0x0;
	s15 =	sshll.u32 s14, $0xD  }
0x2d: {  	[sflag:s4] =	ssyncadd.s32 $0xFFFFE000;
	s18 =	sor.u32 $0x20, s15  }
0x2e: {  	s14 =	smul.u32 $0x8100, s14;
	v3 =	vld [tilespmem:s18+$0x10]  }
0x2f: {  	s30 =	sand.u32 $0x1, s11;
	v2 =	vld [tilespmem:s18+$0xFFFFFFF0]  }
0x30: {  	s15 =	smul.u32 $0x8100, s30;
	s14 =	sshrl.u32 s14, $0x2;
	v0 =	vld [tilespmem:s18+$0x0]  }
0x31: {  	v1 =	vld [tilespmem:s18+$0xFFFFFFE0];
	s16 =	sor.u32 $0x4000, s14  }
0x32: {  	s31 =	sshrl.u32 s15, $0x2;
	s15 =	sadd.s32 $0x0, s16  }
0x33: {  	s17 =	simm.s32 $0x4;
	s18 =	sadd.s32 $0x40, s18;
	s14 =	sor.u32 $0x4000, s31;
	[tilespmem:s15+$0x1830 ss:$0x81] =	vst.msk $0xffff, v3  }
.LBB1_3:
0x34: {  	v3 =	vld [tilespmem:s18+$0x10];
	p1 =	sne.s32 s17, $0x1FC;
	[tilespmem:s15+$0x810 ss:$0x81] =	vst.msk $0xffff, v2;
	s19 =	smov.u32 s17;
	s17 =	sadd.s32 $0x4, s17  }
.Ltmp3:
0x35: {  	v2 =	vld [tilespmem:s18+$0xFFFFFFF0];
	[tilespmem:s15+$0x1020 ss:$0x81] =	vst.msk $0xffff, v0;
	(pc) =	sbr.rel @p1 .LBB1_3-.Ltmp3, $4  }
0x36: {  	v0 =	vld [tilespmem:s18+$0x0];
	[tilespmem:s15+$0x0 ss:$0x81] =	vst.msk $0xffff, v1  }
0x37: {  	s15 =	sshra.s32 s19, $0x2;
	v1 =	vld [tilespmem:s18+$0xFFFFFFE0]  }
0x38: {  	s15 =	sadd.s32 s15, s16  }
0x39: {  	s18 =	sadd.s32 $0x40, s18;
	[tilespmem:s15+$0x1830 ss:$0x81] =	vst.msk $0xffff, v3  }
.Ltmp4:
0x3a: {  	_ = 	snop;
	(pc) =	sbr.rel .LBB1_4-.Ltmp4, $1  }
0x3b: {  	_ =	sdelay $0x3  }
.LBB1_6:
0x3c: {  	_ =	sfence.sel $0x180000  }
0x3d: {  	s2 =	simm.s32 $0x1;
	[bflag:$0x0] =	sbarrier.arrive $0xFFFF  }
0x3e: {  	s31 =	simm.s32 $0x2;
	[sflag:s2] =	ssyncpa.u1 $0x1  }
0x3f: {  	[sflag:s31] =	ssyncpa.u1 $0x1  }
0x40: {  	p0 =	sne.s32 s0, $0x0;
	_ =	strace $0x9000004A  }
0x41: {  	s0 =	sadd.s32 @!p0 $0x100000, s1;
	[bflag:$0x2] =	sbarrier.arrive $0xFFFF  }
0x42: {  	[sflag:s0] =	ssyncadd.tile.s32 @!p0 $0x1;
	_ =	shalt  }
.Lfunc_end1:
_tile_overlayer_lowered:
.L_overlay_start_2:
0x43: {  	(tag) =	ssettag $0x2  }
0x44: {  	s0 =	rddreg [dreg:$0x0];
	s2 =	stileid.u32  }
0x45: {  	s1 =	rddreg [dreg:$0x1];
	p0 =	sne.s32 s2, $0x0  }
0x46: {  	s3 =	rddreg [dreg:$0x2];
	[bflag:$0x3] =	sbarrier.arrive $0xFFFF;
	s2 =	simm.s32 @!p0 $0x1C01  }
0x47: {  	[timem:s3], [sflag:s2] =	dma.local @!p0 [hbm:s0], s1  }
0x48: {  	s0 =	simm.s32 @!p0 $0x1  }
0x49: {  	_ =	swait.ge @!p0 [sflag:s0], s1  }
0x4a: {  	s1 =	ssub.s32 @!p0 $0x0, s1;
	[sflag:s0] =	ssyncset.done @!p0 $0x0  }
0x4b: {  	[sflag:s0] =	ssyncadd.s32 @!p0 s1  }
0x4c: {  	[bflag:$0x3] =	sbarrier.arrive $0xFFFF  }
0x4d: {  	_ =	shalt  }

</sc_bundles>
